<compile_context>
chip_gen: v7x
topology: tpu7x:2x2x1
jax: 0.10.2.dev20260603
libtpu: 0.0.44.dev20260713+nightly
codegen_flags: <defaults>
</compile_context>

<pallas_src>
import functools

import numpy as np

import jax
import jax.numpy as jnp
from jax import lax
from jax.experimental import pallas as pl
from jax.experimental.pallas import tpu as pltpu
from jax.experimental.pallas import tpu_sc as plsc

NC = 2
NS = 16
NW = NC * NS
EPB = 128
G = 16


def _sc_mesh():
    return plsc.VectorSubcoreMesh(
        core_axis_name="c", subcore_axis_name="s", num_cores=NC, num_subcores=NS
    )


def _make_degree(NP, S):

    @functools.partial(
        pl.kernel,
        out_type=jax.ShapeDtypeStruct((NW, NP), jnp.float32),
        mesh=_sc_mesh(),
        scratch_types=[
            pltpu.VMEM((S, EPB), jnp.int32),
            pltpu.VMEM((NP,), jnp.float32),
        ],
        compiler_params=pltpu.CompilerParams(needs_layout_passes=False),
    )
    def deg_kernel(dsts_hbm, out_hbm, idx_d, hist):
        c = lax.axis_index("c")
        s = lax.axis_index("s")
        wid = c * NS + s
        pltpu.sync_copy(dsts_hbm.at[wid], idx_d)

        def zbody(i, carry):
            hist[pl.ds(i * 16, 16)] = jnp.zeros((16,), jnp.float32)
            return carry

        lax.fori_loop(0, NP // 16, zbody, 0)
        ones16 = jnp.ones((16,), jnp.float32)

        def body(j, carry):
            for k in range(EPB // 16):
                idx = idx_d[j, pl.ds(k * 16, 16)]
                plsc.addupdate_scatter(hist, [idx], ones16)
            return carry

        lax.fori_loop(0, S, body, 0)
        pltpu.sync_copy(hist, out_hbm.at[wid])

    return deg_kernel


def _make_agg(NP, S):
    rq = NP // 4 // NS

    @functools.partial(
        pl.kernel,
        out_type=jax.ShapeDtypeStruct((NC, NP // 4, 128), jnp.bfloat16),
        mesh=_sc_mesh(),
        scratch_types=[
            pltpu.VMEM((S, EPB), jnp.int32),
            pltpu.VMEM((S, EPB), jnp.int32),
            pltpu.VMEM((EPB, 128), jnp.float32),
            pltpu.VMEM((EPB, 128), jnp.float32),
            pltpu.VMEM((NP // 4 // NS, 128), jnp.float32),
            pltpu.VMEM((NP // 4 // NS, 128), jnp.bfloat16),
            pltpu.VMEM_SHARED((NP // 4, 128), jnp.float32),
            pltpu.SemaphoreType.DMA,
            pltpu.SemaphoreType.DMA,
        ],
        compiler_params=pltpu.CompilerParams(needs_layout_passes=False),
    )
    def agg_kernel(tab_hbm, gidx_hbm, didx_hbm, out_hbm,
                   idx_g, idx_d, rows_a, rows_b, stage, stage_bf, acc,
                   sem_a, sem_b):
        c = lax.axis_index("c")
        s = lax.axis_index("s")
        wid = c * NS + s
        row0 = s * rq

        def zbody(i, carry):
            for k in range(8):
                stage[i, pl.ds(k * 16, 16)] = jnp.zeros((16,), jnp.float32)
            return carry

        lax.fori_loop(0, rq, zbody, 0)
        pltpu.sync_copy(stage, acc.at[pl.ds(row0, rq)])
        pltpu.sync_copy(gidx_hbm.at[wid], idx_g)
        pltpu.sync_copy(didx_hbm.at[wid], idx_d)
        plsc.subcore_barrier()

        pltpu.async_copy(tab_hbm.at[idx_g.at[0]], rows_a, sem_a)

        def body(t, carry):
            j0 = 2 * t
            j1 = 2 * t + 1
            pltpu.make_async_copy(tab_hbm.at[idx_g.at[j0]], rows_a, sem_a).wait()
            pltpu.async_copy(tab_hbm.at[idx_g.at[j1]], rows_b, sem_b)
            pltpu.sync_copy(rows_a, acc.at[idx_d.at[j0]], add=True)
            pltpu.make_async_copy(tab_hbm.at[idx_g.at[j1]], rows_b, sem_b).wait()

            @pl.when(t + 1 < S // 2)
            def _():
                pltpu.async_copy(tab_hbm.at[idx_g.at[j1 + 1]], rows_a, sem_a)

            pltpu.sync_copy(rows_b, acc.at[idx_d.at[j1]], add=True)
            return carry

        lax.fori_loop(0, S // 2, body, 0)
        plsc.subcore_barrier()
        pltpu.sync_copy(acc.at[pl.ds(row0, rq)], stage)

        def wbody(r, carry):
            for g in range(4):
                v0 = stage[r, pl.ds(g * 32, 16)]
                v1 = stage[r, pl.ds(g * 32 + 16, 16)]
                pk = plsc.pack(v0, v1, format=plsc.PackFormat.INTERLEAVED)
                stage_bf[r, pl.ds(g * 32, 32)] = pk
            return carry

        lax.fori_loop(0, rq, wbody, 0)
        pltpu.sync_copy(stage_bf, out_hbm.at[c, pl.ds(row0, rq)])

    return agg_kernel


def _tc1(deg2_ref, x_ref, w1_ref, dinv_ref, tab_ref):
    deg = jnp.sum(deg2_ref[...], axis=0) + 1.0
    dinv = lax.rsqrt(deg)
    dinv_ref[...] = dinv
    h = jnp.dot(x_ref[...], w1_ref[...], preferred_element_type=jnp.float32)
    hs = h * dinv[:, None]
    f = h.shape[1]
    for q in range(4):
        tab_ref[q] = jnp.pad(hs, ((0, 0), (q * f, 128 - (q + 1) * f)))


def _tcstep(p_ref, hs_ref, dinv_ref, b_ref, w_ref, y_ref, tabn_ref):
    dinv = dinv_ref[...]
    y = dinv[:, None] * (p_ref[...] + hs_ref[...]) + b_ref[...]
    y_ref[...] = y
    h = jnp.maximum(y, 0.0)
    hsn = jnp.dot(h, w_ref[...], preferred_element_type=jnp.float32) * dinv[:, None]
    f = hsn.shape[1]
    for q in range(4):
        tabn_ref[q] = jnp.pad(hsn, ((0, 0), (q * f, 128 - (q + 1) * f)))


def _tc3(p_ref, hs_ref, dinv_ref, b_ref, wn_ref, bn_ref, batch_ref,
         wg_ref, bg_ref, out_ref):
    dinv = dinv_ref[...]
    y = dinv[:, None] * (p_ref[...] + hs_ref[...]) + b_ref[...]
    node = jnp.dot(y, wn_ref[...], preferred_element_type=jnp.float32) + bn_ref[0]
    npad = node.shape[0]
    seg = lax.broadcasted_iota(jnp.int32, (npad, G), 1)
    onehot = (batch_ref[...][:, None] == seg)
    ssum = jnp.sum(jnp.where(onehot, node, 0.0), axis=0)
    cnt = jnp.sum(jnp.where(onehot, 1.0, 0.0), axis=0)
    smax = jnp.max(jnp.where(onehot, node, -jnp.inf), axis=0)
    mean = ssum / jnp.maximum(cnt, 1.0)
    res = ssum * wg_ref[0, 0] + mean * wg_ref[1, 0] + smax * wg_ref[2, 0] + bg_ref[0]
    out_ref[...] = res[:, None]


_IPERM = np.concatenate(
    [32 * g + np.concatenate([2 * np.arange(16), 2 * np.arange(16) + 1])
     for g in range(4)]
)


def kernel(x, edge_index, batch, W1, b1, W2, b2, Wn, bn, Wg, bg):
    N, F_IN = x.shape
    E = edge_index.shape[1]
    F1 = W1.shape[1]
    F2 = W2.shape[1]

    NP = ((N // (NS * EPB)) + 1) * (NS * EPB)
    S = -(-E // (NW * EPB))
    S = ((S + 7) // 8) * 8
    EP = NW * S * EPB

    pad = EP - E
    pad_idx = (N + (jnp.arange(pad, dtype=jnp.int32) % (NP - N))).astype(jnp.int32)
    src_p = jnp.concatenate([edge_index[0], pad_idx])
    dst_p = jnp.concatenate([edge_index[1], pad_idx])
    gidx = ((dst_p % 4) * NP + src_p).reshape(NW, S, EPB)
    didx = (dst_p // 4).reshape(NW, S, EPB)
    dst_p = dst_p.reshape(NW, S, EPB)

    x_p = jnp.pad(x, ((0, NP - N), (0, 0)))
    batch_p = jnp.pad(batch, ((0, NP - N),), constant_values=G)
    W1p = jnp.pad(W1, ((0, 0), (0, F2 - F1)))
    b1p = jnp.pad(b1, ((0, F2 - F1)))
    W2p = jnp.pad(W2, ((0, F2 - F1), (0, 0)))

    deg2 = _make_degree(NP, S)(dst_p)

    dinv, tab1 = pl.pallas_call(
        _tc1,
        out_shape=(
            jax.ShapeDtypeStruct((NP,), jnp.float32),
            jax.ShapeDtypeStruct((4, NP, 128), jnp.float32),
        ),
    )(deg2, x_p, W1p)
    hs1 = tab1[0, :, :F2]

    agg = _make_agg(NP, S)

    def decode(p):
        q = p.astype(jnp.float32)[:, :, _IPERM]
        return (q[0] + q[1]).reshape(NP, F2)

    p1 = decode(agg(tab1.reshape(4 * NP, 128), gidx, didx))
    y1, tab2 = pl.pallas_call(
        _tcstep,
        out_shape=(
            jax.ShapeDtypeStruct((NP, F2), jnp.float32),
            jax.ShapeDtypeStruct((4, NP, 128), jnp.float32),
        ),
    )(p1, hs1, dinv, b1p, W2p)
    hs2 = tab2[0, :, :F2]

    p2 = decode(agg(tab2.reshape(4 * NP, 128), gidx, didx))
    out = pl.pallas_call(
        _tc3,
        out_shape=jax.ShapeDtypeStruct((G, 1), jnp.float32),
    )(p2, hs2, dinv, b2, Wn, bn, batch_p, Wg, bg)

    return out

# --- scband reference (transcript-rebuilt; emitter-appended) ---
"""Pipeline reference for scband-gcn-36498632081920 (READ-ONLY COPY).

The authoritative reference and input builder live on the scoring server;
editing this copy changes nothing except your own understanding.
"""

import jax, jax.numpy as jnp
import numpy as np

N, E, F_IN, G = 10000, 320000, 128, 16

def setup_inputs(seed: int = 0):
    key = jax.random.key(seed)
    ks = jax.random.split(key, 12)
    x = jax.random.normal(ks[0], (N, F_IN), dtype=jnp.float32)
    edge_index = jax.random.randint(ks[1], (2, E), 0, N, dtype=jnp.int32)
    batch = jnp.sort(jax.random.randint(ks[2], (N,), 0, G, dtype=jnp.int32))
    W1 = jax.random.normal(ks[3], (F_IN, 16), dtype=jnp.float32) * 0.05
    b1 = jnp.zeros((16,), dtype=jnp.float32)
    W2 = jax.random.normal(ks[4], (16, 32), dtype=jnp.float32) * 0.05
    b2 = jnp.zeros((32,), dtype=jnp.float32)
    Wn = jax.random.normal(ks[5], (32, 1), dtype=jnp.float32) * 0.05
    bn = jnp.zeros((1,), dtype=jnp.float32)
    Wg = jax.random.normal(ks[6], (3, 1), dtype=jnp.float32) * 0.05
    bg = jnp.zeros((1,), dtype=jnp.float32)
    return {"x": x, "edge_index": edge_index, "batch": batch, "W1": W1, "b1": b1, "W2": W2, "b2": b2, "Wn": Wn, "bn": bn, "Wg": Wg, "bg": bg}

def _gcn_norm(edge_index, n):
    # PyG gcn_norm: add self-loops, symmetric normalization D^-1/2 (A+I) D^-1/2
    loop = jnp.arange(n, dtype=edge_index.dtype)
    src = jnp.concatenate([edge_index[0], loop])
    dst = jnp.concatenate([edge_index[1], loop])
    deg = jnp.zeros((n,), dtype=jnp.float32).at[dst].add(1.0)
    dinv = jnp.where(deg > 0, 1.0 / jnp.sqrt(deg), 0.0)
    norm = dinv[src] * dinv[dst]
    return src, dst, norm

def _gcn_conv(x, src, dst, norm, W, b):
    h = x @ W
    msg = jnp.take(h, src, axis=0) * norm[:, None]
    out = jnp.zeros_like(h).at[dst].add(msg)
    return out + b

def reference(x, edge_index, batch, W1, b1, W2, b2, Wn, bn, Wg, bg):
    n = x.shape[0]
    src, dst, norm = _gcn_norm(edge_index, n)
    h = jax.nn.relu(_gcn_conv(x, src, dst, norm, W1, b1))
    # dropout is identity in eval mode
    h = _gcn_conv(h, src, dst, norm, W2, b2)
    node = h @ Wn + bn  # [N, 1]
    ssum = jax.ops.segment_sum(node, batch, num_segments=G)
    cnt = jax.ops.segment_sum(jnp.ones((n, 1), dtype=jnp.float32), batch, num_segments=G)
    mean = ssum / jnp.maximum(cnt, 1.0)
    smax = jax.ops.segment_max(node, batch, num_segments=G)
    res = jnp.concatenate([ssum, mean, smax], axis=1)  # [G, 3]
    return res @ Wg + bg

if __name__ == "__main__":
    import jax
    _d = setup_inputs()
    print(jax.jit(kernel)(*tuple(_d.values())))

</pallas_src>

<mosaic_0001>
#map = affine_map<(d0, d1) -> (0, 0, 0)>
#map1 = affine_map<(d0, d1) -> (0, 0)>
module attributes {stable_mosaic.version = 14 : i64} {
  func.func @deg_kernel(%arg0: i32, %arg1: i32, %arg2: memref<32x80x128xi32, #tpu.memory_space<hbm>>, %arg3: memref<32x10240xf32, #tpu.memory_space<hbm>>, %arg4: memref<80x128xi32, #tpu.memory_space<vmem>>, %arg5: memref<10240xf32, #tpu.memory_space<vmem>>) attributes {dimension_semantics = [#tpu.dimension_semantics<core_parallel>, #tpu.dimension_semantics<subcore_parallel>], iteration_bounds = array<i64: 2, 16>, scalar_prefetch = 0 : i64, scratch_operands = 2 : i64, tpu.core_type = #tpu.core_type<sc_vector_subcore>, window_params = [{transform_indices = #map}, {transform_indices = #map1}]} {
    %mul3A = arith.constant 16 : i32
    %mul3A_0 = arith.muli %arg0, %mul3A : i32
    %add3A = arith.addi %mul3A_0, %arg1 : i32
    "tpu.region"() ({
      %run_scoped3A = tpu.sem_alloc : memref<!tpu.dma_semaphore, #tpu.memory_space<semaphore_mem>>
      %dma_start3A = arith.constant 0 : i32
      %dma_start3A_13 = arith.constant 0 : i32
      %dma_start3A_14 = tpu.memref_slice %arg2[%add3A, %dma_start3A, %dma_start3A_13] : memref<32x80x128xi32, #tpu.memory_space<hbm>> -> memref<1x80x128xi32, #tpu.memory_space<hbm>>
      %dma_start3A_15 = tpu.memref_squeeze %dma_start3A_14 : memref<1x80x128xi32, #tpu.memory_space<hbm>> -> memref<80x128xi32, #tpu.memory_space<hbm>>
      %dma_start3A_16 = arith.constant 0 : i32
      %dma_start3A_17 = arith.constant 0 : i32
      %dma_start3A_18 = tpu.memref_slice %arg2[%add3A, %dma_start3A_16, %dma_start3A_17] : memref<32x80x128xi32, #tpu.memory_space<hbm>> -> memref<1x80x128xi32, #tpu.memory_space<hbm>>
      %dma_start3A_19 = tpu.memref_squeeze %dma_start3A_18 : memref<1x80x128xi32, #tpu.memory_space<hbm>> -> memref<80x128xi32, #tpu.memory_space<hbm>>
      tpu.enqueue_dma source(%dma_start3A_19 : memref<80x128xi32, #tpu.memory_space<hbm>>) target(%arg4 : memref<80x128xi32, #tpu.memory_space<vmem>>) target_semaphore(%run_scoped3A : memref<!tpu.dma_semaphore, #tpu.memory_space<semaphore_mem>>)
      %dma_wait3A = arith.constant 0 : i32
      %dma_wait3A_20 = arith.constant 0 : i32
      %dma_wait3A_21 = tpu.memref_slice %arg2[%add3A, %dma_wait3A, %dma_wait3A_20] : memref<32x80x128xi32, #tpu.memory_space<hbm>> -> memref<1x80x128xi32, #tpu.memory_space<hbm>>
      %dma_wait3A_22 = tpu.memref_squeeze %dma_wait3A_21 : memref<1x80x128xi32, #tpu.memory_space<hbm>> -> memref<80x128xi32, #tpu.memory_space<hbm>>
      %dma_wait3A_23 = arith.constant 0 : i32
      %dma_wait3A_24 = arith.constant 0 : i32
      %dma_wait3A_25 = tpu.memref_slice %arg2[%add3A, %dma_wait3A_23, %dma_wait3A_24] : memref<32x80x128xi32, #tpu.memory_space<hbm>> -> memref<1x80x128xi32, #tpu.memory_space<hbm>>
      %dma_wait3A_26 = tpu.memref_squeeze %dma_wait3A_25 : memref<1x80x128xi32, #tpu.memory_space<hbm>> -> memref<80x128xi32, #tpu.memory_space<hbm>>
      tpu.wait_dma2 semaphore(%run_scoped3A : memref<!tpu.dma_semaphore, #tpu.memory_space<semaphore_mem>>) src(%dma_wait3A_26 : memref<80x128xi32, #tpu.memory_space<hbm>>) dst(%arg4 : memref<80x128xi32, #tpu.memory_space<vmem>>)
      tpu.yield
    }) : () -> ()
    %scan3A = arith.constant 0 : i32
    %scan3A_1 = arith.constant 0 : i32
    %scan3A_2 = arith.constant 640 : i32
    %scan3A_3 = arith.addi %scan3A_1, %scan3A_2 : i32
    %scan3A_4 = arith.constant 1 : i32
    scf.for %scan3A_13 = %scan3A_1 to %scan3A_3 step %scan3A_4  : i32 {
      %broadcast_in_dim3A_14 = arith.constant 0.000000e+00 : f32
      %broadcast_in_dim3A_15 = vector.broadcast %broadcast_in_dim3A_14 : f32 to vector<16xf32>
      %mul3A_16 = arith.constant 16 : i32
      %mul3A_17 = arith.muli %scan3A_13, %mul3A_16 : i32
      %swap3A = arith.index_cast %mul3A_17 : i32 to index
      %swap3A_18 = tpu.vector_load %arg5[%swap3A] {strides = array<i32>} : memref<10240xf32, #tpu.memory_space<vmem>>, vector<16xf32>,
      tpu.vector_store %arg5[%swap3A], %broadcast_in_dim3A_15 {strides = array<i32>} : memref<10240xf32, #tpu.memory_space<vmem>>, vector<16xf32>,
    }
    %scan3A_5 = arith.constant 640 : i32
    %broadcast_in_dim3A = arith.constant 1.000000e+00 : f32
    %broadcast_in_dim3A_6 = vector.broadcast %broadcast_in_dim3A : f32 to vector<16xf32>
    %scan3A_7 = arith.constant 0 : i32
    %scan3A_8 = arith.constant 0 : i32
    %scan3A_9 = arith.constant 80 : i32
    %scan3A_10 = arith.addi %scan3A_8, %scan3A_9 : i32
    %scan3A_11 = arith.constant 1 : i32
    scf.for %scan3A_13 = %scan3A_8 to %scan3A_10 step %scan3A_11  : i32 {
      %get3A = arith.index_cast %scan3A_13 : i32 to index
      %get3A_14 = arith.constant 0 : index
      %get3A_15 = tpu.vector_load %arg4[%get3A, %get3A_14] {strides = array<i32>} : memref<80x128xi32, #tpu.memory_space<vmem>>, vector<16xi32>,
      tpu.vector_store_idx %arg5[%get3A_15], %broadcast_in_dim3A_6 {add = true} : memref<10240xf32, #tpu.memory_space<vmem>>[vector<16xi32>], vector<16xf32>,
      %get3A_16 = arith.index_cast %scan3A_13 : i32 to index
      %get3A_17 = arith.constant 16 : index
      %get3A_18 = tpu.vector_load %arg4[%get3A_16, %get3A_17] {strides = array<i32>} : memref<80x128xi32, #tpu.memory_space<vmem>>, vector<16xi32>,
      tpu.vector_store_idx %arg5[%get3A_18], %broadcast_in_dim3A_6 {add = true} : memref<10240xf32, #tpu.memory_space<vmem>>[vector<16xi32>], vector<16xf32>,
      %get3A_19 = arith.index_cast %scan3A_13 : i32 to index
      %get3A_20 = arith.constant 32 : index
      %get3A_21 = tpu.vector_load %arg4[%get3A_19, %get3A_20] {strides = array<i32>} : memref<80x128xi32, #tpu.memory_space<vmem>>, vector<16xi32>,
      tpu.vector_store_idx %arg5[%get3A_21], %broadcast_in_dim3A_6 {add = true} : memref<10240xf32, #tpu.memory_space<vmem>>[vector<16xi32>], vector<16xf32>,
      %get3A_22 = arith.index_cast %scan3A_13 : i32 to index
      %get3A_23 = arith.constant 48 : index
      %get3A_24 = tpu.vector_load %arg4[%get3A_22, %get3A_23] {strides = array<i32>} : memref<80x128xi32, #tpu.memory_space<vmem>>, vector<16xi32>,
      tpu.vector_store_idx %arg5[%get3A_24], %broadcast_in_dim3A_6 {add = true} : memref<10240xf32, #tpu.memory_space<vmem>>[vector<16xi32>], vector<16xf32>,
      %get3A_25 = arith.index_cast %scan3A_13 : i32 to index
      %get3A_26 = arith.constant 64 : index
      %get3A_27 = tpu.vector_load %arg4[%get3A_25, %get3A_26] {strides = array<i32>} : memref<80x128xi32, #tpu.memory_space<vmem>>, vector<16xi32>,
      tpu.vector_store_idx %arg5[%get3A_27], %broadcast_in_dim3A_6 {add = true} : memref<10240xf32, #tpu.memory_space<vmem>>[vector<16xi32>], vector<16xf32>,
      %get3A_28 = arith.index_cast %scan3A_13 : i32 to index
      %get3A_29 = arith.constant 80 : index
      %get3A_30 = tpu.vector_load %arg4[%get3A_28, %get3A_29] {strides = array<i32>} : memref<80x128xi32, #tpu.memory_space<vmem>>, vector<16xi32>,
      tpu.vector_store_idx %arg5[%get3A_30], %broadcast_in_dim3A_6 {add = true} : memref<10240xf32, #tpu.memory_space<vmem>>[vector<16xi32>], vector<16xf32>,
      %get3A_31 = arith.index_cast %scan3A_13 : i32 to index
      %get3A_32 = arith.constant 96 : index
      %get3A_33 = tpu.vector_load %arg4[%get3A_31, %get3A_32] {strides = array<i32>} : memref<80x128xi32, #tpu.memory_space<vmem>>, vector<16xi32>,
      tpu.vector_store_idx %arg5[%get3A_33], %broadcast_in_dim3A_6 {add = true} : memref<10240xf32, #tpu.memory_space<vmem>>[vector<16xi32>], vector<16xf32>,
      %get3A_34 = arith.index_cast %scan3A_13 : i32 to index
      %get3A_35 = arith.constant 112 : index
      %get3A_36 = tpu.vector_load %arg4[%get3A_34, %get3A_35] {strides = array<i32>} : memref<80x128xi32, #tpu.memory_space<vmem>>, vector<16xi32>,
      tpu.vector_store_idx %arg5[%get3A_36], %broadcast_in_dim3A_6 {add = true} : memref<10240xf32, #tpu.memory_space<vmem>>[vector<16xi32>], vector<16xf32>,
    }
    %scan3A_12 = arith.constant 80 : i32
    "tpu.region"() ({
      %run_scoped3A = tpu.sem_alloc : memref<!tpu.dma_semaphore, #tpu.memory_space<semaphore_mem>>
      %dma_start3A = arith.constant 0 : i32
      %dma_start3A_13 = tpu.memref_slice %arg3[%add3A, %dma_start3A] : memref<32x10240xf32, #tpu.memory_space<hbm>> -> memref<1x10240xf32, #tpu.memory_space<hbm>>
      %dma_start3A_14 = tpu.memref_squeeze %dma_start3A_13 : memref<1x10240xf32, #tpu.memory_space<hbm>> -> memref<10240xf32, #tpu.memory_space<hbm>>
      %dma_start3A_15 = arith.constant 0 : i32
      %dma_start3A_16 = tpu.memref_slice %arg3[%add3A, %dma_start3A_15] : memref<32x10240xf32, #tpu.memory_space<hbm>> -> memref<1x10240xf32, #tpu.memory_space<hbm>>
      %dma_start3A_17 = tpu.memref_squeeze %dma_start3A_16 : memref<1x10240xf32, #tpu.memory_space<hbm>> -> memref<10240xf32, #tpu.memory_space<hbm>>
      tpu.enqueue_dma source(%arg5 : memref<10240xf32, #tpu.memory_space<vmem>>) target(%dma_start3A_17 : memref<10240xf32, #tpu.memory_space<hbm>>) target_semaphore(%run_scoped3A : memref<!tpu.dma_semaphore, #tpu.memory_space<semaphore_mem>>)
      %dma_wait3A = arith.constant 0 : i32
      %dma_wait3A_18 = tpu.memref_slice %arg3[%add3A, %dma_wait3A] : memref<32x10240xf32, #tpu.memory_space<hbm>> -> memref<1x10240xf32, #tpu.memory_space<hbm>>
      %dma_wait3A_19 = tpu.memref_squeeze %dma_wait3A_18 : memref<1x10240xf32, #tpu.memory_space<hbm>> -> memref<10240xf32, #tpu.memory_space<hbm>>
      %dma_wait3A_20 = arith.constant 0 : i32
      %dma_wait3A_21 = tpu.memref_slice %arg3[%add3A, %dma_wait3A_20] : memref<32x10240xf32, #tpu.memory_space<hbm>> -> memref<1x10240xf32, #tpu.memory_space<hbm>>
      %dma_wait3A_22 = tpu.memref_squeeze %dma_wait3A_21 : memref<1x10240xf32, #tpu.memory_space<hbm>> -> memref<10240xf32, #tpu.memory_space<hbm>>
      tpu.wait_dma2 semaphore(%run_scoped3A : memref<!tpu.dma_semaphore, #tpu.memory_space<semaphore_mem>>) src(%arg5 : memref<10240xf32, #tpu.memory_space<vmem>>) dst(%dma_wait3A_22 : memref<10240xf32, #tpu.memory_space<hbm>>)
      tpu.yield
    }) : () -> ()
    return
  }
}

#map = affine_map<(d0, d1) -> (0, 0)>
#map1 = affine_map<(d0, d1) -> (0, 0, 0)>
module attributes {stable_mosaic.version = 14 : i64} {
  func.func @agg_kernel(%arg0: i32, %arg1: i32, %arg2: memref<40960x128xf32, #tpu.memory_space<hbm>>, %arg3: memref<32x80x128xi32, #tpu.memory_space<hbm>>, %arg4: memref<32x80x128xi32, #tpu.memory_space<hbm>>, %arg5: memref<2x2560x128xbf16, #tpu.memory_space<hbm>>, %arg6: memref<80x128xi32, #tpu.memory_space<vmem>>, %arg7: memref<80x128xi32, #tpu.memory_space<vmem>>, %arg8: memref<128x128xf32, #tpu.memory_space<vmem>>, %arg9: memref<128x128xf32, #tpu.memory_space<vmem>>, %arg10: memref<160x128xf32, #tpu.memory_space<vmem>>, %arg11: memref<160x128xbf16, #tpu.memory_space<vmem>>, %arg12: memref<2560x128xf32, #tpu.memory_space<vmem_shared>>, %arg13: memref<!tpu.dma_semaphore, #tpu.memory_space<semaphore_mem>>, %arg14: memref<!tpu.dma_semaphore, #tpu.memory_space<semaphore_mem>>) attributes {dimension_semantics = [#tpu.dimension_semantics<core_parallel>, #tpu.dimension_semantics<subcore_parallel>], iteration_bounds = array<i64: 2, 16>, scalar_prefetch = 0 : i64, scratch_operands = 9 : i64, tpu.core_type = #tpu.core_type<sc_vector_subcore>, window_params = [{transform_indices = #map}, {transform_indices = #map1}, {transform_indices = #map1}, {transform_indices = #map1}]} {
    %mul3A = arith.constant 16 : i32
    %mul3A_0 = arith.muli %arg0, %mul3A : i32
    %add3A = arith.addi %mul3A_0, %arg1 : i32
    %mul3A_1 = arith.constant 160 : i32
    %mul3A_2 = arith.muli %arg1, %mul3A_1 : i32
    %scan3A = arith.constant 0 : i32
    %scan3A_3 = arith.constant 0 : i32
    %scan3A_4 = arith.constant 160 : i32
    %scan3A_5 = arith.addi %scan3A_3, %scan3A_4 : i32
    %scan3A_6 = arith.constant 1 : i32
    scf.for %scan3A_27 = %scan3A_3 to %scan3A_5 step %scan3A_6  : i32 {
      %broadcast_in_dim3A = arith.constant 0.000000e+00 : f32
      %broadcast_in_dim3A_28 = vector.broadcast %broadcast_in_dim3A : f32 to vector<16xf32>
      %swap3A = arith.index_cast %scan3A_27 : i32 to index
      %swap3A_29 = arith.constant 0 : index
      %swap3A_30 = tpu.vector_load %arg10[%swap3A, %swap3A_29] {strides = array<i32>} : memref<160x128xf32, #tpu.memory_space<vmem>>, vector<16xf32>,
      tpu.vector_store %arg10[%swap3A, %swap3A_29], %broadcast_in_dim3A_28 {strides = array<i32>} : memref<160x128xf32, #tpu.memory_space<vmem>>, vector<16xf32>,
      %broadcast_in_dim3A_31 = arith.constant 0.000000e+00 : f32
      %broadcast_in_dim3A_32 = vector.broadcast %broadcast_in_dim3A_31 : f32 to vector<16xf32>
      %swap3A_33 = arith.index_cast %scan3A_27 : i32 to index
      %swap3A_34 = arith.constant 16 : index
      %swap3A_35 = tpu.vector_load %arg10[%swap3A_33, %swap3A_34] {strides = array<i32>} : memref<160x128xf32, #tpu.memory_space<vmem>>, vector<16xf32>,
      tpu.vector_store %arg10[%swap3A_33, %swap3A_34], %broadcast_in_dim3A_32 {strides = array<i32>} : memref<160x128xf32, #tpu.memory_space<vmem>>, vector<16xf32>,
      %broadcast_in_dim3A_36 = arith.constant 0.000000e+00 : f32
      %broadcast_in_dim3A_37 = vector.broadcast %broadcast_in_dim3A_36 : f32 to vector<16xf32>
      %swap3A_38 = arith.index_cast %scan3A_27 : i32 to index
      %swap3A_39 = arith.constant 32 : index
      %swap3A_40 = tpu.vector_load %arg10[%swap3A_38, %swap3A_39] {strides = array<i32>} : memref<160x128xf32, #tpu.memory_space<vmem>>, vector<16xf32>,
      tpu.vector_store %arg10[%swap3A_38, %swap3A_39], %broadcast_in_dim3A_37 {strides = array<i32>} : memref<160x128xf32, #tpu.memory_space<vmem>>, vector<16xf32>,
      %broadcast_in_dim3A_41 = arith.constant 0.000000e+00 : f32
      %broadcast_in_dim3A_42 = vector.broadcast %broadcast_in_dim3A_41 : f32 to vector<16xf32>
      %swap3A_43 = arith.index_cast %scan3A_27 : i32 to index
      %swap3A_44 = arith.constant 48 : index
      %swap3A_45 = tpu.vector_load %arg10[%swap3A_43, %swap3A_44] {strides = array<i32>} : memref<160x128xf32, #tpu.memory_space<vmem>>, vector<16xf32>,
      tpu.vector_store %arg10[%swap3A_43, %swap3A_44], %broadcast_in_dim3A_42 {strides = array<i32>} : memref<160x128xf32, #tpu.memory_space<vmem>>, vector<16xf32>,
      %broadcast_in_dim3A_46 = arith.constant 0.000000e+00 : f32
      %broadcast_in_dim3A_47 = vector.broadcast %broadcast_in_dim3A_46 : f32 to vector<16xf32>
      %swap3A_48 = arith.index_cast %scan3A_27 : i32 to index
      %swap3A_49 = arith.constant 64 : index
      %swap3A_50 = tpu.vector_load %arg10[%swap3A_48, %swap3A_49] {strides = array<i32>} : memref<160x128xf32, #tpu.memory_space<vmem>>, vector<16xf32>,
      tpu.vector_store %arg10[%swap3A_48, %swap3A_49], %broadcast_in_dim3A_47 {strides = array<i32>} : memref<160x128xf32, #tpu.memory_space<vmem>>, vector<16xf32>,
      %broadcast_in_dim3A_51 = arith.constant 0.000000e+00 : f32
      %broadcast_in_dim3A_52 = vector.broadcast %broadcast_in_dim3A_51 : f32 to vector<16xf32>
      %swap3A_53 = arith.index_cast %scan3A_27 : i32 to index
      %swap3A_54 = arith.constant 80 : index
      %swap3A_55 = tpu.vector_load %arg10[%swap3A_53, %swap3A_54] {strides = array<i32>} : memref<160x128xf32, #tpu.memory_space<vmem>>, vector<16xf32>,
      tpu.vector_store %arg10[%swap3A_53, %swap3A_54], %broadcast_in_dim3A_52 {strides = array<i32>} : memref<160x128xf32, #tpu.memory_space<vmem>>, vector<16xf32>,
      %broadcast_in_dim3A_56 = arith.constant 0.000000e+00 : f32
      %broadcast_in_dim3A_57 = vector.broadcast %broadcast_in_dim3A_56 : f32 to vector<16xf32>
      %swap3A_58 = arith.index_cast %scan3A_27 : i32 to index
      %swap3A_59 = arith.constant 96 : index
      %swap3A_60 = tpu.vector_load %arg10[%swap3A_58, %swap3A_59] {strides = array<i32>} : memref<160x128xf32, #tpu.memory_space<vmem>>, vector<16xf32>,
      tpu.vector_store %arg10[%swap3A_58, %swap3A_59], %broadcast_in_dim3A_57 {strides = array<i32>} : memref<160x128xf32, #tpu.memory_space<vmem>>, vector<16xf32>,
      %broadcast_in_dim3A_61 = arith.constant 0.000000e+00 : f32
      %broadcast_in_dim3A_62 = vector.broadcast %broadcast_in_dim3A_61 : f32 to vector<16xf32>
      %swap3A_63 = arith.index_cast %scan3A_27 : i32 to index
      %swap3A_64 = arith.constant 112 : index
      %swap3A_65 = tpu.vector_load %arg10[%swap3A_63, %swap3A_64] {strides = array<i32>} : memref<160x128xf32, #tpu.memory_space<vmem>>, vector<16xf32>,
      tpu.vector_store %arg10[%swap3A_63, %swap3A_64], %broadcast_in_dim3A_62 {strides = array<i32>} : memref<160x128xf32, #tpu.memory_space<vmem>>, vector<16xf32>,
    }
    %scan3A_7 = arith.constant 160 : i32
    "tpu.region"() ({
      %run_scoped3A = tpu.sem_alloc : memref<!tpu.dma_semaphore, #tpu.memory_space<semaphore_mem>>
      %dma_start3A_27 = arith.constant 0 : i32
      %dma_start3A_28 = tpu.memref_slice %arg12[%mul3A_2, %dma_start3A_27] : memref<2560x128xf32, #tpu.memory_space<vmem_shared>> -> memref<160x128xf32, #tpu.memory_space<vmem_shared>>
      %dma_start3A_29 = arith.constant 0 : i32
      %dma_start3A_30 = tpu.memref_slice %arg12[%mul3A_2, %dma_start3A_29] : memref<2560x128xf32, #tpu.memory_space<vmem_shared>> -> memref<160x128xf32, #tpu.memory_space<vmem_shared>>
      tpu.enqueue_dma source(%arg10 : memref<160x128xf32, #tpu.memory_space<vmem>>) target(%dma_start3A_30 : memref<160x128xf32, #tpu.memory_space<vmem_shared>>) target_semaphore(%run_scoped3A : memref<!tpu.dma_semaphore, #tpu.memory_space<semaphore_mem>>)
      %dma_wait3A = arith.constant 0 : i32
      %dma_wait3A_31 = tpu.memref_slice %arg12[%mul3A_2, %dma_wait3A] : memref<2560x128xf32, #tpu.memory_space<vmem_shared>> -> memref<160x128xf32, #tpu.memory_space<vmem_shared>>
      %dma_wait3A_32 = arith.constant 0 : i32
      %dma_wait3A_33 = tpu.memref_slice %arg12[%mul3A_2, %dma_wait3A_32] : memref<2560x128xf32, #tpu.memory_space<vmem_shared>> -> memref<160x128xf32, #tpu.memory_space<vmem_shared>>
      tpu.wait_dma2 semaphore(%run_scoped3A : memref<!tpu.dma_semaphore, #tpu.memory_space<semaphore_mem>>) src(%arg10 : memref<160x128xf32, #tpu.memory_space<vmem>>) dst(%dma_wait3A_33 : memref<160x128xf32, #tpu.memory_space<vmem_shared>>)
      tpu.yield
    }) : () -> ()
    "tpu.region"() ({
      %run_scoped3A = tpu.sem_alloc : memref<!tpu.dma_semaphore, #tpu.memory_space<semaphore_mem>>
      %dma_start3A_27 = arith.constant 0 : i32
      %dma_start3A_28 = arith.constant 0 : i32
      %dma_start3A_29 = tpu.memref_slice %arg3[%add3A, %dma_start3A_27, %dma_start3A_28] : memref<32x80x128xi32, #tpu.memory_space<hbm>> -> memref<1x80x128xi32, #tpu.memory_space<hbm>>
      %dma_start3A_30 = tpu.memref_squeeze %dma_start3A_29 : memref<1x80x128xi32, #tpu.memory_space<hbm>> -> memref<80x128xi32, #tpu.memory_space<hbm>>
      %dma_start3A_31 = arith.constant 0 : i32
      %dma_start3A_32 = arith.constant 0 : i32
      %dma_start3A_33 = tpu.memref_slice %arg3[%add3A, %dma_start3A_31, %dma_start3A_32] : memref<32x80x128xi32, #tpu.memory_space<hbm>> -> memref<1x80x128xi32, #tpu.memory_space<hbm>>
      %dma_start3A_34 = tpu.memref_squeeze %dma_start3A_33 : memref<1x80x128xi32, #tpu.memory_space<hbm>> -> memref<80x128xi32, #tpu.memory_space<hbm>>
      tpu.enqueue_dma source(%dma_start3A_34 : memref<80x128xi32, #tpu.memory_space<hbm>>) target(%arg6 : memref<80x128xi32, #tpu.memory_space<vmem>>) target_semaphore(%run_scoped3A : memref<!tpu.dma_semaphore, #tpu.memory_space<semaphore_mem>>)
      %dma_wait3A = arith.constant 0 : i32
      %dma_wait3A_35 = arith.constant 0 : i32
      %dma_wait3A_36 = tpu.memref_slice %arg3[%add3A, %dma_wait3A, %dma_wait3A_35] : memref<32x80x128xi32, #tpu.memory_space<hbm>> -> memref<1x80x128xi32, #tpu.memory_space<hbm>>
      %dma_wait3A_37 = tpu.memref_squeeze %dma_wait3A_36 : memref<1x80x128xi32, #tpu.memory_space<hbm>> -> memref<80x128xi32, #tpu.memory_space<hbm>>
      %dma_wait3A_38 = arith.constant 0 : i32
      %dma_wait3A_39 = arith.constant 0 : i32
      %dma_wait3A_40 = tpu.memref_slice %arg3[%add3A, %dma_wait3A_38, %dma_wait3A_39] : memref<32x80x128xi32, #tpu.memory_space<hbm>> -> memref<1x80x128xi32, #tpu.memory_space<hbm>>
      %dma_wait3A_41 = tpu.memref_squeeze %dma_wait3A_40 : memref<1x80x128xi32, #tpu.memory_space<hbm>> -> memref<80x128xi32, #tpu.memory_space<hbm>>
      tpu.wait_dma2 semaphore(%run_scoped3A : memref<!tpu.dma_semaphore, #tpu.memory_space<semaphore_mem>>) src(%dma_wait3A_41 : memref<80x128xi32, #tpu.memory_space<hbm>>) dst(%arg6 : memref<80x128xi32, #tpu.memory_space<vmem>>)
      tpu.yield
    }) : () -> ()
    "tpu.region"() ({
      %run_scoped3A = tpu.sem_alloc : memref<!tpu.dma_semaphore, #tpu.memory_space<semaphore_mem>>
      %dma_start3A_27 = arith.constant 0 : i32
      %dma_start3A_28 = arith.constant 0 : i32
      %dma_start3A_29 = tpu.memref_slice %arg4[%add3A, %dma_start3A_27, %dma_start3A_28] : memref<32x80x128xi32, #tpu.memory_space<hbm>> -> memref<1x80x128xi32, #tpu.memory_space<hbm>>
      %dma_start3A_30 = tpu.memref_squeeze %dma_start3A_29 : memref<1x80x128xi32, #tpu.memory_space<hbm>> -> memref<80x128xi32, #tpu.memory_space<hbm>>
      %dma_start3A_31 = arith.constant 0 : i32
      %dma_start3A_32 = arith.constant 0 : i32
      %dma_start3A_33 = tpu.memref_slice %arg4[%add3A, %dma_start3A_31, %dma_start3A_32] : memref<32x80x128xi32, #tpu.memory_space<hbm>> -> memref<1x80x128xi32, #tpu.memory_space<hbm>>
      %dma_start3A_34 = tpu.memref_squeeze %dma_start3A_33 : memref<1x80x128xi32, #tpu.memory_space<hbm>> -> memref<80x128xi32, #tpu.memory_space<hbm>>
      tpu.enqueue_dma source(%dma_start3A_34 : memref<80x128xi32, #tpu.memory_space<hbm>>) target(%arg7 : memref<80x128xi32, #tpu.memory_space<vmem>>) target_semaphore(%run_scoped3A : memref<!tpu.dma_semaphore, #tpu.memory_space<semaphore_mem>>)
      %dma_wait3A = arith.constant 0 : i32
      %dma_wait3A_35 = arith.constant 0 : i32
      %dma_wait3A_36 = tpu.memref_slice %arg4[%add3A, %dma_wait3A, %dma_wait3A_35] : memref<32x80x128xi32, #tpu.memory_space<hbm>> -> memref<1x80x128xi32, #tpu.memory_space<hbm>>
      %dma_wait3A_37 = tpu.memref_squeeze %dma_wait3A_36 : memref<1x80x128xi32, #tpu.memory_space<hbm>> -> memref<80x128xi32, #tpu.memory_space<hbm>>
      %dma_wait3A_38 = arith.constant 0 : i32
      %dma_wait3A_39 = arith.constant 0 : i32
      %dma_wait3A_40 = tpu.memref_slice %arg4[%add3A, %dma_wait3A_38, %dma_wait3A_39] : memref<32x80x128xi32, #tpu.memory_space<hbm>> -> memref<1x80x128xi32, #tpu.memory_space<hbm>>
      %dma_wait3A_41 = tpu.memref_squeeze %dma_wait3A_40 : memref<1x80x128xi32, #tpu.memory_space<hbm>> -> memref<80x128xi32, #tpu.memory_space<hbm>>
      tpu.wait_dma2 semaphore(%run_scoped3A : memref<!tpu.dma_semaphore, #tpu.memory_space<semaphore_mem>>) src(%dma_wait3A_41 : memref<80x128xi32, #tpu.memory_space<hbm>>) dst(%arg7 : memref<80x128xi32, #tpu.memory_space<vmem>>)
      tpu.yield
    }) : () -> ()
    %barrier3A = arith.constant 0 : index
    tpu.barrier barrier_id(%barrier3A)
    %dma_start3A = arith.constant 0 : i32
    %dma_start3A_8 = arith.constant 0 : i32
    %dma_start3A_9 = tpu.memref_slice %arg6[%dma_start3A, %dma_start3A_8] : memref<80x128xi32, #tpu.memory_space<vmem>> -> memref<1x128xi32, #tpu.memory_space<vmem>>
    %dma_start3A_10 = tpu.memref_squeeze %dma_start3A_9 : memref<1x128xi32, #tpu.memory_space<vmem>> -> memref<128xi32, #tpu.memory_space<vmem>>
    %dma_start3A_11 = arith.constant 0 : i32
    %dma_start3A_12 = arith.constant 0 : i32
    %dma_start3A_13 = tpu.memref_slice %arg2[%dma_start3A_11, %dma_start3A_12] : memref<40960x128xf32, #tpu.memory_space<hbm>> -> memref<40960x128xf32, #tpu.memory_space<hbm>>
    tpu.enqueue_indirect_dma source(%dma_start3A_13 : memref<40960x128xf32, #tpu.memory_space<hbm>>) target(%arg8 : memref<128x128xf32, #tpu.memory_space<vmem>>) offsets(%dma_start3A_10 : memref<128xi32, #tpu.memory_space<vmem>>) semaphore(%arg13 : memref<!tpu.dma_semaphore, #tpu.memory_space<semaphore_mem>>)
    %scan3A_14 = arith.constant 0 : i32
    %scan3A_15 = arith.constant 0 : i32
    %scan3A_16 = arith.constant 40 : i32
    %scan3A_17 = arith.addi %scan3A_15, %scan3A_16 : i32
    %scan3A_18 = arith.constant 1 : i32
    scf.for %scan3A_27 = %scan3A_15 to %scan3A_17 step %scan3A_18  : i32 {
      %mul3A_28 = arith.constant 2 : i32
      %mul3A_29 = arith.muli %mul3A_28, %scan3A_27 : i32
      %mul3A_30 = arith.constant 2 : i32
      %mul3A_31 = arith.muli %mul3A_30, %scan3A_27 : i32
      %add3A_32 = arith.constant 1 : i32
      %add3A_33 = arith.addi %mul3A_31, %add3A_32 : i32
      %dma_wait3A = arith.constant 0 : i32
      %dma_wait3A_34 = tpu.memref_slice %arg6[%mul3A_29, %dma_wait3A] : memref<80x128xi32, #tpu.memory_space<vmem>> -> memref<1x128xi32, #tpu.memory_space<vmem>>
      %dma_wait3A_35 = tpu.memref_squeeze %dma_wait3A_34 : memref<1x128xi32, #tpu.memory_space<vmem>> -> memref<128xi32, #tpu.memory_space<vmem>>
      %dma_wait3A_36 = arith.constant 0 : i32
      %dma_wait3A_37 = arith.constant 0 : i32
      %dma_wait3A_38 = tpu.memref_slice %arg2[%dma_wait3A_36, %dma_wait3A_37] : memref<40960x128xf32, #tpu.memory_space<hbm>> -> memref<40960x128xf32, #tpu.memory_space<hbm>>
      tpu.wait_indirect_dma semaphore(%arg13 : memref<!tpu.dma_semaphore, #tpu.memory_space<semaphore_mem>>) src(%dma_wait3A_38 : memref<40960x128xf32, #tpu.memory_space<hbm>>) dst(%arg8 : memref<128x128xf32, #tpu.memory_space<vmem>>)
      %dma_start3A_39 = arith.constant 0 : i32
      %dma_start3A_40 = tpu.memref_slice %arg6[%add3A_33, %dma_start3A_39] : memref<80x128xi32, #tpu.memory_space<vmem>> -> memref<1x128xi32, #tpu.memory_space<vmem>>
      %dma_start3A_41 = tpu.memref_squeeze %dma_start3A_40 : memref<1x128xi32, #tpu.memory_space<vmem>> -> memref<128xi32, #tpu.memory_space<vmem>>
      %dma_start3A_42 = arith.constant 0 : i32
      %dma_start3A_43 = arith.constant 0 : i32
      %dma_start3A_44 = tpu.memref_slice %arg2[%dma_start3A_42, %dma_start3A_43] : memref<40960x128xf32, #tpu.memory_space<hbm>> -> memref<40960x128xf32, #tpu.memory_space<hbm>>
      tpu.enqueue_indirect_dma source(%dma_start3A_44 : memref<40960x128xf32, #tpu.memory_space<hbm>>) target(%arg9 : memref<128x128xf32, #tpu.memory_space<vmem>>) offsets(%dma_start3A_41 : memref<128xi32, #tpu.memory_space<vmem>>) semaphore(%arg14 : memref<!tpu.dma_semaphore, #tpu.memory_space<semaphore_mem>>)
      "tpu.region"() ({
        %run_scoped3A = tpu.sem_alloc : memref<!tpu.dma_semaphore, #tpu.memory_space<semaphore_mem>>
        %dma_start3A_55 = arith.constant 0 : i32
        %dma_start3A_56 = tpu.memref_slice %arg7[%mul3A_29, %dma_start3A_55] : memref<80x128xi32, #tpu.memory_space<vmem>> -> memref<1x128xi32, #tpu.memory_space<vmem>>
        %dma_start3A_57 = tpu.memref_squeeze %dma_start3A_56 : memref<1x128xi32, #tpu.memory_space<vmem>> -> memref<128xi32, #tpu.memory_space<vmem>>
        %dma_start3A_58 = arith.constant 0 : i32
        %dma_start3A_59 = arith.constant 0 : i32
        %dma_start3A_60 = tpu.memref_slice %arg12[%dma_start3A_58, %dma_start3A_59] : memref<2560x128xf32, #tpu.memory_space<vmem_shared>> -> memref<2560x128xf32, #tpu.memory_space<vmem_shared>>
        tpu.enqueue_indirect_dma source(%arg8 : memref<128x128xf32, #tpu.memory_space<vmem>>) target(%dma_start3A_60 : memref<2560x128xf32, #tpu.memory_space<vmem_shared>>) offsets(%dma_start3A_57 : memref<128xi32, #tpu.memory_space<vmem>>) semaphore(%run_scoped3A : memref<!tpu.dma_semaphore, #tpu.memory_space<semaphore_mem>>) {add = true}
        %dma_wait3A_61 = arith.constant 0 : i32
        %dma_wait3A_62 = tpu.memref_slice %arg7[%mul3A_29, %dma_wait3A_61] : memref<80x128xi32, #tpu.memory_space<vmem>> -> memref<1x128xi32, #tpu.memory_space<vmem>>
        %dma_wait3A_63 = tpu.memref_squeeze %dma_wait3A_62 : memref<1x128xi32, #tpu.memory_space<vmem>> -> memref<128xi32, #tpu.memory_space<vmem>>
        %dma_wait3A_64 = arith.constant 0 : i32
        %dma_wait3A_65 = arith.constant 0 : i32
        %dma_wait3A_66 = tpu.memref_slice %arg12[%dma_wait3A_64, %dma_wait3A_65] : memref<2560x128xf32, #tpu.memory_space<vmem_shared>> -> memref<2560x128xf32, #tpu.memory_space<vmem_shared>>
        tpu.wait_indirect_dma semaphore(%run_scoped3A : memref<!tpu.dma_semaphore, #tpu.memory_space<semaphore_mem>>) src(%arg8 : memref<128x128xf32, #tpu.memory_space<vmem>>) dst(%dma_wait3A_66 : memref<2560x128xf32, #tpu.memory_space<vmem_shared>>)
        tpu.yield
      }) : () -> ()
      %dma_wait3A_45 = arith.constant 0 : i32
      %dma_wait3A_46 = tpu.memref_slice %arg6[%add3A_33, %dma_wait3A_45] : memref<80x128xi32, #tpu.memory_space<vmem>> -> memref<1x128xi32, #tpu.memory_space<vmem>>
      %dma_wait3A_47 = tpu.memref_squeeze %dma_wait3A_46 : memref<1x128xi32, #tpu.memory_space<vmem>> -> memref<128xi32, #tpu.memory_space<vmem>>
      %dma_wait3A_48 = arith.constant 0 : i32
      %dma_wait3A_49 = arith.constant 0 : i32
      %dma_wait3A_50 = tpu.memref_slice %arg2[%dma_wait3A_48, %dma_wait3A_49] : memref<40960x128xf32, #tpu.memory_space<hbm>> -> memref<40960x128xf32, #tpu.memory_space<hbm>>
      tpu.wait_indirect_dma semaphore(%arg14 : memref<!tpu.dma_semaphore, #tpu.memory_space<semaphore_mem>>) src(%dma_wait3A_50 : memref<40960x128xf32, #tpu.memory_space<hbm>>) dst(%arg9 : memref<128x128xf32, #tpu.memory_space<vmem>>)
      %add3A_51 = arith.constant 1 : i32
      %add3A_52 = arith.addi %scan3A_27, %add3A_51 : i32
      %lt3A = arith.constant 40 : i32
      %lt3A_53 = arith.cmpi slt, %add3A_52, %lt3A : i32
      %convert_element_type3A = arith.extui %lt3A_53 : i1 to i32
      %cond3A = arith.constant 0 : i32
      %cond3A_54 = arith.cmpi ne, %convert_element_type3A, %cond3A : i32
      scf.if %cond3A_54 {
        %add3A_55 = arith.constant 1 : i32
        %add3A_56 = arith.addi %add3A_33, %add3A_55 : i32
        %dma_start3A_57 = arith.constant 0 : i32
        %dma_start3A_58 = tpu.memref_slice %arg6[%add3A_56, %dma_start3A_57] : memref<80x128xi32, #tpu.memory_space<vmem>> -> memref<1x128xi32, #tpu.memory_space<vmem>>
        %dma_start3A_59 = tpu.memref_squeeze %dma_start3A_58 : memref<1x128xi32, #tpu.memory_space<vmem>> -> memref<128xi32, #tpu.memory_space<vmem>>
        %dma_start3A_60 = arith.constant 0 : i32
        %dma_start3A_61 = arith.constant 0 : i32
        %dma_start3A_62 = tpu.memref_slice %arg2[%dma_start3A_60, %dma_start3A_61] : memref<40960x128xf32, #tpu.memory_space<hbm>> -> memref<40960x128xf32, #tpu.memory_space<hbm>>
        tpu.enqueue_indirect_dma source(%dma_start3A_62 : memref<40960x128xf32, #tpu.memory_space<hbm>>) target(%arg8 : memref<128x128xf32, #tpu.memory_space<vmem>>) offsets(%dma_start3A_59 : memref<128xi32, #tpu.memory_space<vmem>>) semaphore(%arg13 : memref<!tpu.dma_semaphore, #tpu.memory_space<semaphore_mem>>)
      } else {
      }
      "tpu.region"() ({
        %run_scoped3A = tpu.sem_alloc : memref<!tpu.dma_semaphore, #tpu.memory_space<semaphore_mem>>
        %dma_start3A_55 = arith.constant 0 : i32
        %dma_start3A_56 = tpu.memref_slice %arg7[%add3A_33, %dma_start3A_55] : memref<80x128xi32, #tpu.memory_space<vmem>> -> memref<1x128xi32, #tpu.memory_space<vmem>>
        %dma_start3A_57 = tpu.memref_squeeze %dma_start3A_56 : memref<1x128xi32, #tpu.memory_space<vmem>> -> memref<128xi32, #tpu.memory_space<vmem>>
        %dma_start3A_58 = arith.constant 0 : i32
        %dma_start3A_59 = arith.constant 0 : i32
        %dma_start3A_60 = tpu.memref_slice %arg12[%dma_start3A_58, %dma_start3A_59] : memref<2560x128xf32, #tpu.memory_space<vmem_shared>> -> memref<2560x128xf32, #tpu.memory_space<vmem_shared>>
        tpu.enqueue_indirect_dma source(%arg9 : memref<128x128xf32, #tpu.memory_space<vmem>>) target(%dma_start3A_60 : memref<2560x128xf32, #tpu.memory_space<vmem_shared>>) offsets(%dma_start3A_57 : memref<128xi32, #tpu.memory_space<vmem>>) semaphore(%run_scoped3A : memref<!tpu.dma_semaphore, #tpu.memory_space<semaphore_mem>>) {add = true}
        %dma_wait3A_61 = arith.constant 0 : i32
        %dma_wait3A_62 = tpu.memref_slice %arg7[%add3A_33, %dma_wait3A_61] : memref<80x128xi32, #tpu.memory_space<vmem>> -> memref<1x128xi32, #tpu.memory_space<vmem>>
        %dma_wait3A_63 = tpu.memref_squeeze %dma_wait3A_62 : memref<1x128xi32, #tpu.memory_space<vmem>> -> memref<128xi32, #tpu.memory_space<vmem>>
        %dma_wait3A_64 = arith.constant 0 : i32
        %dma_wait3A_65 = arith.constant 0 : i32
        %dma_wait3A_66 = tpu.memref_slice %arg12[%dma_wait3A_64, %dma_wait3A_65] : memref<2560x128xf32, #tpu.memory_space<vmem_shared>> -> memref<2560x128xf32, #tpu.memory_space<vmem_shared>>
        tpu.wait_indirect_dma semaphore(%run_scoped3A : memref<!tpu.dma_semaphore, #tpu.memory_space<semaphore_mem>>) src(%arg9 : memref<128x128xf32, #tpu.memory_space<vmem>>) dst(%dma_wait3A_66 : memref<2560x128xf32, #tpu.memory_space<vmem_shared>>)
        tpu.yield
      }) : () -> ()
    }
    %scan3A_19 = arith.constant 40 : i32
    %barrier3A_20 = arith.constant 0 : index
    tpu.barrier barrier_id(%barrier3A_20)
    "tpu.region"() ({
      %run_scoped3A = tpu.sem_alloc : memref<!tpu.dma_semaphore, #tpu.memory_space<semaphore_mem>>
      %dma_start3A_27 = arith.constant 0 : i32
      %dma_start3A_28 = tpu.memref_slice %arg12[%mul3A_2, %dma_start3A_27] : memref<2560x128xf32, #tpu.memory_space<vmem_shared>> -> memref<160x128xf32, #tpu.memory_space<vmem_shared>>
      %dma_start3A_29 = arith.constant 0 : i32
      %dma_start3A_30 = tpu.memref_slice %arg12[%mul3A_2, %dma_start3A_29] : memref<2560x128xf32, #tpu.memory_space<vmem_shared>> -> memref<160x128xf32, #tpu.memory_space<vmem_shared>>
      tpu.enqueue_dma source(%dma_start3A_30 : memref<160x128xf32, #tpu.memory_space<vmem_shared>>) target(%arg10 : memref<160x128xf32, #tpu.memory_space<vmem>>) target_semaphore(%run_scoped3A : memref<!tpu.dma_semaphore, #tpu.memory_space<semaphore_mem>>)
      %dma_wait3A = arith.constant 0 : i32
      %dma_wait3A_31 = tpu.memref_slice %arg12[%mul3A_2, %dma_wait3A] : memref<2560x128xf32, #tpu.memory_space<vmem_shared>> -> memref<160x128xf32, #tpu.memory_space<vmem_shared>>
      %dma_wait3A_32 = arith.constant 0 : i32
      %dma_wait3A_33 = tpu.memref_slice %arg12[%mul3A_2, %dma_wait3A_32] : memref<2560x128xf32, #tpu.memory_space<vmem_shared>> -> memref<160x128xf32, #tpu.memory_space<vmem_shared>>
      tpu.wait_dma2 semaphore(%run_scoped3A : memref<!tpu.dma_semaphore, #tpu.memory_space<semaphore_mem>>) src(%dma_wait3A_33 : memref<160x128xf32, #tpu.memory_space<vmem_shared>>) dst(%arg10 : memref<160x128xf32, #tpu.memory_space<vmem>>)
      tpu.yield
    }) : () -> ()
    %scan3A_21 = arith.constant 0 : i32
    %scan3A_22 = arith.constant 0 : i32
    %scan3A_23 = arith.constant 160 : i32
    %scan3A_24 = arith.addi %scan3A_22, %scan3A_23 : i32
    %scan3A_25 = arith.constant 1 : i32
    scf.for %scan3A_27 = %scan3A_22 to %scan3A_24 step %scan3A_25  : i32 {
      %get3A = arith.index_cast %scan3A_27 : i32 to index
      %get3A_28 = arith.constant 0 : index
      %get3A_29 = tpu.vector_load %arg10[%get3A, %get3A_28] {strides = array<i32>} : memref<160x128xf32, #tpu.memory_space<vmem>>, vector<16xf32>,
      %get3A_30 = arith.index_cast %scan3A_27 : i32 to index
      %get3A_31 = arith.constant 16 : index
      %get3A_32 = tpu.vector_load %arg10[%get3A_30, %get3A_31] {strides = array<i32>} : memref<160x128xf32, #tpu.memory_space<vmem>>, vector<16xf32>,
      %pack3A = tpu.pack_subelements %get3A_29, %get3A_32 {pack_format = #tpu.pack_format<interleaved>, positions = array<i32: 0, 1>} : vector<16xf32>, vector<16xf32> -> vector<32xbf16>
      %swap3A = arith.index_cast %scan3A_27 : i32 to index
      %swap3A_33 = arith.constant 0 : index
      %swap3A_34 = tpu.vector_load %arg11[%swap3A, %swap3A_33] {strides = array<i32>} : memref<160x128xbf16, #tpu.memory_space<vmem>>, vector<32xbf16>,
      tpu.vector_store %arg11[%swap3A, %swap3A_33], %pack3A {strides = array<i32>} : memref<160x128xbf16, #tpu.memory_space<vmem>>, vector<32xbf16>,
      %get3A_35 = arith.index_cast %scan3A_27 : i32 to index
      %get3A_36 = arith.constant 32 : index
      %get3A_37 = tpu.vector_load %arg10[%get3A_35, %get3A_36] {strides = array<i32>} : memref<160x128xf32, #tpu.memory_space<vmem>>, vector<16xf32>,
      %get3A_38 = arith.index_cast %scan3A_27 : i32 to index
      %get3A_39 = arith.constant 48 : index
      %get3A_40 = tpu.vector_load %arg10[%get3A_38, %get3A_39] {strides = array<i32>} : memref<160x128xf32, #tpu.memory_space<vmem>>, vector<16xf32>,
      %pack3A_41 = tpu.pack_subelements %get3A_37, %get3A_40 {pack_format = #tpu.pack_format<interleaved>, positions = array<i32: 0, 1>} : vector<16xf32>, vector<16xf32> -> vector<32xbf16>
      %swap3A_42 = arith.index_cast %scan3A_27 : i32 to index
      %swap3A_43 = arith.constant 32 : index
      %swap3A_44 = tpu.vector_load %arg11[%swap3A_42, %swap3A_43] {strides = array<i32>} : memref<160x128xbf16, #tpu.memory_space<vmem>>, vector<32xbf16>,
      tpu.vector_store %arg11[%swap3A_42, %swap3A_43], %pack3A_41 {strides = array<i32>} : memref<160x128xbf16, #tpu.memory_space<vmem>>, vector<32xbf16>,
      %get3A_45 = arith.index_cast %scan3A_27 : i32 to index
      %get3A_46 = arith.constant 64 : index
      %get3A_47 = tpu.vector_load %arg10[%get3A_45, %get3A_46] {strides = array<i32>} : memref<160x128xf32, #tpu.memory_space<vmem>>, vector<16xf32>,
      %get3A_48 = arith.index_cast %scan3A_27 : i32 to index
      %get3A_49 = arith.constant 80 : index
      %get3A_50 = tpu.vector_load %arg10[%get3A_48, %get3A_49] {strides = array<i32>} : memref<160x128xf32, #tpu.memory_space<vmem>>, vector<16xf32>,
      %pack3A_51 = tpu.pack_subelements %get3A_47, %get3A_50 {pack_format = #tpu.pack_format<interleaved>, positions = array<i32: 0, 1>} : vector<16xf32>, vector<16xf32> -> vector<32xbf16>
      %swap3A_52 = arith.index_cast %scan3A_27 : i32 to index
      %swap3A_53 = arith.constant 64 : index
      %swap3A_54 = tpu.vector_load %arg11[%swap3A_52, %swap3A_53] {strides = array<i32>} : memref<160x128xbf16, #tpu.memory_space<vmem>>, vector<32xbf16>,
      tpu.vector_store %arg11[%swap3A_52, %swap3A_53], %pack3A_51 {strides = array<i32>} : memref<160x128xbf16, #tpu.memory_space<vmem>>, vector<32xbf16>,
      %get3A_55 = arith.index_cast %scan3A_27 : i32 to index
      %get3A_56 = arith.constant 96 : index
      %get3A_57 = tpu.vector_load %arg10[%get3A_55, %get3A_56] {strides = array<i32>} : memref<160x128xf32, #tpu.memory_space<vmem>>, vector<16xf32>,
      %get3A_58 = arith.index_cast %scan3A_27 : i32 to index
      %get3A_59 = arith.constant 112 : index
      %get3A_60 = tpu.vector_load %arg10[%get3A_58, %get3A_59] {strides = array<i32>} : memref<160x128xf32, #tpu.memory_space<vmem>>, vector<16xf32>,
      %pack3A_61 = tpu.pack_subelements %get3A_57, %get3A_60 {pack_format = #tpu.pack_format<interleaved>, positions = array<i32: 0, 1>} : vector<16xf32>, vector<16xf32> -> vector<32xbf16>
      %swap3A_62 = arith.index_cast %scan3A_27 : i32 to index
      %swap3A_63 = arith.constant 96 : index
      %swap3A_64 = tpu.vector_load %arg11[%swap3A_62, %swap3A_63] {strides = array<i32>} : memref<160x128xbf16, #tpu.memory_space<vmem>>, vector<32xbf16>,
      tpu.vector_store %arg11[%swap3A_62, %swap3A_63], %pack3A_61 {strides = array<i32>} : memref<160x128xbf16, #tpu.memory_space<vmem>>, vector<32xbf16>,
    }
    %scan3A_26 = arith.constant 160 : i32
    "tpu.region"() ({
      %run_scoped3A = tpu.sem_alloc : memref<!tpu.dma_semaphore, #tpu.memory_space<semaphore_mem>>
      %dma_start3A_27 = arith.constant 0 : i32
      %dma_start3A_28 = tpu.memref_slice %arg5[%arg0, %mul3A_2, %dma_start3A_27] : memref<2x2560x128xbf16, #tpu.memory_space<hbm>> -> memref<1x160x128xbf16, #tpu.memory_space<hbm>>
      %dma_start3A_29 = tpu.memref_squeeze %dma_start3A_28 : memref<1x160x128xbf16, #tpu.memory_space<hbm>> -> memref<160x128xbf16, #tpu.memory_space<hbm>>
      %dma_start3A_30 = arith.constant 0 : i32
      %dma_start3A_31 = tpu.memref_slice %arg5[%arg0, %mul3A_2, %dma_start3A_30] : memref<2x2560x128xbf16, #tpu.memory_space<hbm>> -> memref<1x160x128xbf16, #tpu.memory_space<hbm>>
      %dma_start3A_32 = tpu.memref_squeeze %dma_start3A_31 : memref<1x160x128xbf16, #tpu.memory_space<hbm>> -> memref<160x128xbf16, #tpu.memory_space<hbm>>
      tpu.enqueue_dma source(%arg11 : memref<160x128xbf16, #tpu.memory_space<vmem>>) target(%dma_start3A_32 : memref<160x128xbf16, #tpu.memory_space<hbm>>) target_semaphore(%run_scoped3A : memref<!tpu.dma_semaphore, #tpu.memory_space<semaphore_mem>>)
      %dma_wait3A = arith.constant 0 : i32
      %dma_wait3A_33 = tpu.memref_slice %arg5[%arg0, %mul3A_2, %dma_wait3A] : memref<2x2560x128xbf16, #tpu.memory_space<hbm>> -> memref<1x160x128xbf16, #tpu.memory_space<hbm>>
      %dma_wait3A_34 = tpu.memref_squeeze %dma_wait3A_33 : memref<1x160x128xbf16, #tpu.memory_space<hbm>> -> memref<160x128xbf16, #tpu.memory_space<hbm>>
      %dma_wait3A_35 = arith.constant 0 : i32
      %dma_wait3A_36 = tpu.memref_slice %arg5[%arg0, %mul3A_2, %dma_wait3A_35] : memref<2x2560x128xbf16, #tpu.memory_space<hbm>> -> memref<1x160x128xbf16, #tpu.memory_space<hbm>>
      %dma_wait3A_37 = tpu.memref_squeeze %dma_wait3A_36 : memref<1x160x128xbf16, #tpu.memory_space<hbm>> -> memref<160x128xbf16, #tpu.memory_space<hbm>>
      tpu.wait_dma2 semaphore(%run_scoped3A : memref<!tpu.dma_semaphore, #tpu.memory_space<semaphore_mem>>) src(%arg11 : memref<160x128xbf16, #tpu.memory_space<vmem>>) dst(%dma_wait3A_37 : memref<160x128xbf16, #tpu.memory_space<hbm>>)
      tpu.yield
    }) : () -> ()
    return
  }
}

#map = affine_map<(d0, d1) -> (0, 0)>
#map1 = affine_map<(d0, d1) -> (0, 0, 0)>
module attributes {stable_mosaic.version = 14 : i64} {
  func.func @agg_kernel(%arg0: i32, %arg1: i32, %arg2: memref<40960x128xf32, #tpu.memory_space<hbm>>, %arg3: memref<32x80x128xi32, #tpu.memory_space<hbm>>, %arg4: memref<32x80x128xi32, #tpu.memory_space<hbm>>, %arg5: memref<2x2560x128xbf16, #tpu.memory_space<hbm>>, %arg6: memref<80x128xi32, #tpu.memory_space<vmem>>, %arg7: memref<80x128xi32, #tpu.memory_space<vmem>>, %arg8: memref<128x128xf32, #tpu.memory_space<vmem>>, %arg9: memref<128x128xf32, #tpu.memory_space<vmem>>, %arg10: memref<160x128xf32, #tpu.memory_space<vmem>>, %arg11: memref<160x128xbf16, #tpu.memory_space<vmem>>, %arg12: memref<2560x128xf32, #tpu.memory_space<vmem_shared>>, %arg13: memref<!tpu.dma_semaphore, #tpu.memory_space<semaphore_mem>>, %arg14: memref<!tpu.dma_semaphore, #tpu.memory_space<semaphore_mem>>) attributes {dimension_semantics = [#tpu.dimension_semantics<core_parallel>, #tpu.dimension_semantics<subcore_parallel>], iteration_bounds = array<i64: 2, 16>, scalar_prefetch = 0 : i64, scratch_operands = 9 : i64, tpu.core_type = #tpu.core_type<sc_vector_subcore>, window_params = [{transform_indices = #map}, {transform_indices = #map1}, {transform_indices = #map1}, {transform_indices = #map1}]} {
    %mul3A = arith.constant 16 : i32
    %mul3A_0 = arith.muli %arg0, %mul3A : i32
    %add3A = arith.addi %mul3A_0, %arg1 : i32
    %mul3A_1 = arith.constant 160 : i32
    %mul3A_2 = arith.muli %arg1, %mul3A_1 : i32
    %scan3A = arith.constant 0 : i32
    %scan3A_3 = arith.constant 0 : i32
    %scan3A_4 = arith.constant 160 : i32
    %scan3A_5 = arith.addi %scan3A_3, %scan3A_4 : i32
    %scan3A_6 = arith.constant 1 : i32
    scf.for %scan3A_27 = %scan3A_3 to %scan3A_5 step %scan3A_6  : i32 {
      %broadcast_in_dim3A = arith.constant 0.000000e+00 : f32
      %broadcast_in_dim3A_28 = vector.broadcast %broadcast_in_dim3A : f32 to vector<16xf32>
      %swap3A = arith.index_cast %scan3A_27 : i32 to index
      %swap3A_29 = arith.constant 0 : index
      %swap3A_30 = tpu.vector_load %arg10[%swap3A, %swap3A_29] {strides = array<i32>} : memref<160x128xf32, #tpu.memory_space<vmem>>, vector<16xf32>,
      tpu.vector_store %arg10[%swap3A, %swap3A_29], %broadcast_in_dim3A_28 {strides = array<i32>} : memref<160x128xf32, #tpu.memory_space<vmem>>, vector<16xf32>,
      %broadcast_in_dim3A_31 = arith.constant 0.000000e+00 : f32
      %broadcast_in_dim3A_32 = vector.broadcast %broadcast_in_dim3A_31 : f32 to vector<16xf32>
      %swap3A_33 = arith.index_cast %scan3A_27 : i32 to index
      %swap3A_34 = arith.constant 16 : index
      %swap3A_35 = tpu.vector_load %arg10[%swap3A_33, %swap3A_34] {strides = array<i32>} : memref<160x128xf32, #tpu.memory_space<vmem>>, vector<16xf32>,
      tpu.vector_store %arg10[%swap3A_33, %swap3A_34], %broadcast_in_dim3A_32 {strides = array<i32>} : memref<160x128xf32, #tpu.memory_space<vmem>>, vector<16xf32>,
      %broadcast_in_dim3A_36 = arith.constant 0.000000e+00 : f32
      %broadcast_in_dim3A_37 = vector.broadcast %broadcast_in_dim3A_36 : f32 to vector<16xf32>
      %swap3A_38 = arith.index_cast %scan3A_27 : i32 to index
      %swap3A_39 = arith.constant 32 : index
      %swap3A_40 = tpu.vector_load %arg10[%swap3A_38, %swap3A_39] {strides = array<i32>} : memref<160x128xf32, #tpu.memory_space<vmem>>, vector<16xf32>,
      tpu.vector_store %arg10[%swap3A_38, %swap3A_39], %broadcast_in_dim3A_37 {strides = array<i32>} : memref<160x128xf32, #tpu.memory_space<vmem>>, vector<16xf32>,
      %broadcast_in_dim3A_41 = arith.constant 0.000000e+00 : f32
      %broadcast_in_dim3A_42 = vector.broadcast %broadcast_in_dim3A_41 : f32 to vector<16xf32>
      %swap3A_43 = arith.index_cast %scan3A_27 : i32 to index
      %swap3A_44 = arith.constant 48 : index
      %swap3A_45 = tpu.vector_load %arg10[%swap3A_43, %swap3A_44] {strides = array<i32>} : memref<160x128xf32, #tpu.memory_space<vmem>>, vector<16xf32>,
      tpu.vector_store %arg10[%swap3A_43, %swap3A_44], %broadcast_in_dim3A_42 {strides = array<i32>} : memref<160x128xf32, #tpu.memory_space<vmem>>, vector<16xf32>,
      %broadcast_in_dim3A_46 = arith.constant 0.000000e+00 : f32
      %broadcast_in_dim3A_47 = vector.broadcast %broadcast_in_dim3A_46 : f32 to vector<16xf32>
      %swap3A_48 = arith.index_cast %scan3A_27 : i32 to index
      %swap3A_49 = arith.constant 64 : index
      %swap3A_50 = tpu.vector_load %arg10[%swap3A_48, %swap3A_49] {strides = array<i32>} : memref<160x128xf32, #tpu.memory_space<vmem>>, vector<16xf32>,
      tpu.vector_store %arg10[%swap3A_48, %swap3A_49], %broadcast_in_dim3A_47 {strides = array<i32>} : memref<160x128xf32, #tpu.memory_space<vmem>>, vector<16xf32>,
      %broadcast_in_dim3A_51 = arith.constant 0.000000e+00 : f32
      %broadcast_in_dim3A_52 = vector.broadcast %broadcast_in_dim3A_51 : f32 to vector<16xf32>
      %swap3A_53 = arith.index_cast %scan3A_27 : i32 to index
      %swap3A_54 = arith.constant 80 : index
      %swap3A_55 = tpu.vector_load %arg10[%swap3A_53, %swap3A_54] {strides = array<i32>} : memref<160x128xf32, #tpu.memory_space<vmem>>, vector<16xf32>,
      tpu.vector_store %arg10[%swap3A_53, %swap3A_54], %broadcast_in_dim3A_52 {strides = array<i32>} : memref<160x128xf32, #tpu.memory_space<vmem>>, vector<16xf32>,
      %broadcast_in_dim3A_56 = arith.constant 0.000000e+00 : f32
      %broadcast_in_dim3A_57 = vector.broadcast %broadcast_in_dim3A_56 : f32 to vector<16xf32>
      %swap3A_58 = arith.index_cast %scan3A_27 : i32 to index
      %swap3A_59 = arith.constant 96 : index
      %swap3A_60 = tpu.vector_load %arg10[%swap3A_58, %swap3A_59] {strides = array<i32>} : memref<160x128xf32, #tpu.memory_space<vmem>>, vector<16xf32>,
      tpu.vector_store %arg10[%swap3A_58, %swap3A_59], %broadcast_in_dim3A_57 {strides = array<i32>} : memref<160x128xf32, #tpu.memory_space<vmem>>, vector<16xf32>,
      %broadcast_in_dim3A_61 = arith.constant 0.000000e+00 : f32
      %broadcast_in_dim3A_62 = vector.broadcast %broadcast_in_dim3A_61 : f32 to vector<16xf32>
      %swap3A_63 = arith.index_cast %scan3A_27 : i32 to index
      %swap3A_64 = arith.constant 112 : index
      %swap3A_65 = tpu.vector_load %arg10[%swap3A_63, %swap3A_64] {strides = array<i32>} : memref<160x128xf32, #tpu.memory_space<vmem>>, vector<16xf32>,
      tpu.vector_store %arg10[%swap3A_63, %swap3A_64], %broadcast_in_dim3A_62 {strides = array<i32>} : memref<160x128xf32, #tpu.memory_space<vmem>>, vector<16xf32>,
    }
    %scan3A_7 = arith.constant 160 : i32
    "tpu.region"() ({
      %run_scoped3A = tpu.sem_alloc : memref<!tpu.dma_semaphore, #tpu.memory_space<semaphore_mem>>
      %dma_start3A_27 = arith.constant 0 : i32
      %dma_start3A_28 = tpu.memref_slice %arg12[%mul3A_2, %dma_start3A_27] : memref<2560x128xf32, #tpu.memory_space<vmem_shared>> -> memref<160x128xf32, #tpu.memory_space<vmem_shared>>
      %dma_start3A_29 = arith.constant 0 : i32
      %dma_start3A_30 = tpu.memref_slice %arg12[%mul3A_2, %dma_start3A_29] : memref<2560x128xf32, #tpu.memory_space<vmem_shared>> -> memref<160x128xf32, #tpu.memory_space<vmem_shared>>
      tpu.enqueue_dma source(%arg10 : memref<160x128xf32, #tpu.memory_space<vmem>>) target(%dma_start3A_30 : memref<160x128xf32, #tpu.memory_space<vmem_shared>>) target_semaphore(%run_scoped3A : memref<!tpu.dma_semaphore, #tpu.memory_space<semaphore_mem>>)
      %dma_wait3A = arith.constant 0 : i32
      %dma_wait3A_31 = tpu.memref_slice %arg12[%mul3A_2, %dma_wait3A] : memref<2560x128xf32, #tpu.memory_space<vmem_shared>> -> memref<160x128xf32, #tpu.memory_space<vmem_shared>>
      %dma_wait3A_32 = arith.constant 0 : i32
      %dma_wait3A_33 = tpu.memref_slice %arg12[%mul3A_2, %dma_wait3A_32] : memref<2560x128xf32, #tpu.memory_space<vmem_shared>> -> memref<160x128xf32, #tpu.memory_space<vmem_shared>>
      tpu.wait_dma2 semaphore(%run_scoped3A : memref<!tpu.dma_semaphore, #tpu.memory_space<semaphore_mem>>) src(%arg10 : memref<160x128xf32, #tpu.memory_space<vmem>>) dst(%dma_wait3A_33 : memref<160x128xf32, #tpu.memory_space<vmem_shared>>)
      tpu.yield
    }) : () -> ()
    "tpu.region"() ({
      %run_scoped3A = tpu.sem_alloc : memref<!tpu.dma_semaphore, #tpu.memory_space<semaphore_mem>>
      %dma_start3A_27 = arith.constant 0 : i32
      %dma_start3A_28 = arith.constant 0 : i32
      %dma_start3A_29 = tpu.memref_slice %arg3[%add3A, %dma_start3A_27, %dma_start3A_28] : memref<32x80x128xi32, #tpu.memory_space<hbm>> -> memref<1x80x128xi32, #tpu.memory_space<hbm>>
      %dma_start3A_30 = tpu.memref_squeeze %dma_start3A_29 : memref<1x80x128xi32, #tpu.memory_space<hbm>> -> memref<80x128xi32, #tpu.memory_space<hbm>>
      %dma_start3A_31 = arith.constant 0 : i32
      %dma_start3A_32 = arith.constant 0 : i32
      %dma_start3A_33 = tpu.memref_slice %arg3[%add3A, %dma_start3A_31, %dma_start3A_32] : memref<32x80x128xi32, #tpu.memory_space<hbm>> -> memref<1x80x128xi32, #tpu.memory_space<hbm>>
      %dma_start3A_34 = tpu.memref_squeeze %dma_start3A_33 : memref<1x80x128xi32, #tpu.memory_space<hbm>> -> memref<80x128xi32, #tpu.memory_space<hbm>>
      tpu.enqueue_dma source(%dma_start3A_34 : memref<80x128xi32, #tpu.memory_space<hbm>>) target(%arg6 : memref<80x128xi32, #tpu.memory_space<vmem>>) target_semaphore(%run_scoped3A : memref<!tpu.dma_semaphore, #tpu.memory_space<semaphore_mem>>)
      %dma_wait3A = arith.constant 0 : i32
      %dma_wait3A_35 = arith.constant 0 : i32
      %dma_wait3A_36 = tpu.memref_slice %arg3[%add3A, %dma_wait3A, %dma_wait3A_35] : memref<32x80x128xi32, #tpu.memory_space<hbm>> -> memref<1x80x128xi32, #tpu.memory_space<hbm>>
      %dma_wait3A_37 = tpu.memref_squeeze %dma_wait3A_36 : memref<1x80x128xi32, #tpu.memory_space<hbm>> -> memref<80x128xi32, #tpu.memory_space<hbm>>
      %dma_wait3A_38 = arith.constant 0 : i32
      %dma_wait3A_39 = arith.constant 0 : i32
      %dma_wait3A_40 = tpu.memref_slice %arg3[%add3A, %dma_wait3A_38, %dma_wait3A_39] : memref<32x80x128xi32, #tpu.memory_space<hbm>> -> memref<1x80x128xi32, #tpu.memory_space<hbm>>
      %dma_wait3A_41 = tpu.memref_squeeze %dma_wait3A_40 : memref<1x80x128xi32, #tpu.memory_space<hbm>> -> memref<80x128xi32, #tpu.memory_space<hbm>>
      tpu.wait_dma2 semaphore(%run_scoped3A : memref<!tpu.dma_semaphore, #tpu.memory_space<semaphore_mem>>) src(%dma_wait3A_41 : memref<80x128xi32, #tpu.memory_space<hbm>>) dst(%arg6 : memref<80x128xi32, #tpu.memory_space<vmem>>)
      tpu.yield
    }) : () -> ()
    "tpu.region"() ({
      %run_scoped3A = tpu.sem_alloc : memref<!tpu.dma_semaphore, #tpu.memory_space<semaphore_mem>>
      %dma_start3A_27 = arith.constant 0 : i32
      %dma_start3A_28 = arith.constant 0 : i32
      %dma_start3A_29 = tpu.memref_slice %arg4[%add3A, %dma_start3A_27, %dma_start3A_28] : memref<32x80x128xi32, #tpu.memory_space<hbm>> -> memref<1x80x128xi32, #tpu.memory_space<hbm>>
      %dma_start3A_30 = tpu.memref_squeeze %dma_start3A_29 : memref<1x80x128xi32, #tpu.memory_space<hbm>> -> memref<80x128xi32, #tpu.memory_space<hbm>>
      %dma_start3A_31 = arith.constant 0 : i32
      %dma_start3A_32 = arith.constant 0 : i32
      %dma_start3A_33 = tpu.memref_slice %arg4[%add3A, %dma_start3A_31, %dma_start3A_32] : memref<32x80x128xi32, #tpu.memory_space<hbm>> -> memref<1x80x128xi32, #tpu.memory_space<hbm>>
      %dma_start3A_34 = tpu.memref_squeeze %dma_start3A_33 : memref<1x80x128xi32, #tpu.memory_space<hbm>> -> memref<80x128xi32, #tpu.memory_space<hbm>>
      tpu.enqueue_dma source(%dma_start3A_34 : memref<80x128xi32, #tpu.memory_space<hbm>>) target(%arg7 : memref<80x128xi32, #tpu.memory_space<vmem>>) target_semaphore(%run_scoped3A : memref<!tpu.dma_semaphore, #tpu.memory_space<semaphore_mem>>)
      %dma_wait3A = arith.constant 0 : i32
      %dma_wait3A_35 = arith.constant 0 : i32
      %dma_wait3A_36 = tpu.memref_slice %arg4[%add3A, %dma_wait3A, %dma_wait3A_35] : memref<32x80x128xi32, #tpu.memory_space<hbm>> -> memref<1x80x128xi32, #tpu.memory_space<hbm>>
      %dma_wait3A_37 = tpu.memref_squeeze %dma_wait3A_36 : memref<1x80x128xi32, #tpu.memory_space<hbm>> -> memref<80x128xi32, #tpu.memory_space<hbm>>
      %dma_wait3A_38 = arith.constant 0 : i32
      %dma_wait3A_39 = arith.constant 0 : i32
      %dma_wait3A_40 = tpu.memref_slice %arg4[%add3A, %dma_wait3A_38, %dma_wait3A_39] : memref<32x80x128xi32, #tpu.memory_space<hbm>> -> memref<1x80x128xi32, #tpu.memory_space<hbm>>
      %dma_wait3A_41 = tpu.memref_squeeze %dma_wait3A_40 : memref<1x80x128xi32, #tpu.memory_space<hbm>> -> memref<80x128xi32, #tpu.memory_space<hbm>>
      tpu.wait_dma2 semaphore(%run_scoped3A : memref<!tpu.dma_semaphore, #tpu.memory_space<semaphore_mem>>) src(%dma_wait3A_41 : memref<80x128xi32, #tpu.memory_space<hbm>>) dst(%arg7 : memref<80x128xi32, #tpu.memory_space<vmem>>)
      tpu.yield
    }) : () -> ()
    %barrier3A = arith.constant 0 : index
    tpu.barrier barrier_id(%barrier3A)
    %dma_start3A = arith.constant 0 : i32
    %dma_start3A_8 = arith.constant 0 : i32
    %dma_start3A_9 = tpu.memref_slice %arg6[%dma_start3A, %dma_start3A_8] : memref<80x128xi32, #tpu.memory_space<vmem>> -> memref<1x128xi32, #tpu.memory_space<vmem>>
    %dma_start3A_10 = tpu.memref_squeeze %dma_start3A_9 : memref<1x128xi32, #tpu.memory_space<vmem>> -> memref<128xi32, #tpu.memory_space<vmem>>
    %dma_start3A_11 = arith.constant 0 : i32
    %dma_start3A_12 = arith.constant 0 : i32
    %dma_start3A_13 = tpu.memref_slice %arg2[%dma_start3A_11, %dma_start3A_12] : memref<40960x128xf32, #tpu.memory_space<hbm>> -> memref<40960x128xf32, #tpu.memory_space<hbm>>
    tpu.enqueue_indirect_dma source(%dma_start3A_13 : memref<40960x128xf32, #tpu.memory_space<hbm>>) target(%arg8 : memref<128x128xf32, #tpu.memory_space<vmem>>) offsets(%dma_start3A_10 : memref<128xi32, #tpu.memory_space<vmem>>) semaphore(%arg13 : memref<!tpu.dma_semaphore, #tpu.memory_space<semaphore_mem>>)
    %scan3A_14 = arith.constant 0 : i32
    %scan3A_15 = arith.constant 0 : i32
    %scan3A_16 = arith.constant 40 : i32
    %scan3A_17 = arith.addi %scan3A_15, %scan3A_16 : i32
    %scan3A_18 = arith.constant 1 : i32
    scf.for %scan3A_27 = %scan3A_15 to %scan3A_17 step %scan3A_18  : i32 {
      %mul3A_28 = arith.constant 2 : i32
      %mul3A_29 = arith.muli %mul3A_28, %scan3A_27 : i32
      %mul3A_30 = arith.constant 2 : i32
      %mul3A_31 = arith.muli %mul3A_30, %scan3A_27 : i32
      %add3A_32 = arith.constant 1 : i32
      %add3A_33 = arith.addi %mul3A_31, %add3A_32 : i32
      %dma_wait3A = arith.constant 0 : i32
      %dma_wait3A_34 = tpu.memref_slice %arg6[%mul3A_29, %dma_wait3A] : memref<80x128xi32, #tpu.memory_space<vmem>> -> memref<1x128xi32, #tpu.memory_space<vmem>>
      %dma_wait3A_35 = tpu.memref_squeeze %dma_wait3A_34 : memref<1x128xi32, #tpu.memory_space<vmem>> -> memref<128xi32, #tpu.memory_space<vmem>>
      %dma_wait3A_36 = arith.constant 0 : i32
      %dma_wait3A_37 = arith.constant 0 : i32
      %dma_wait3A_38 = tpu.memref_slice %arg2[%dma_wait3A_36, %dma_wait3A_37] : memref<40960x128xf32, #tpu.memory_space<hbm>> -> memref<40960x128xf32, #tpu.memory_space<hbm>>
      tpu.wait_indirect_dma semaphore(%arg13 : memref<!tpu.dma_semaphore, #tpu.memory_space<semaphore_mem>>) src(%dma_wait3A_38 : memref<40960x128xf32, #tpu.memory_space<hbm>>) dst(%arg8 : memref<128x128xf32, #tpu.memory_space<vmem>>)
      %dma_start3A_39 = arith.constant 0 : i32
      %dma_start3A_40 = tpu.memref_slice %arg6[%add3A_33, %dma_start3A_39] : memref<80x128xi32, #tpu.memory_space<vmem>> -> memref<1x128xi32, #tpu.memory_space<vmem>>
      %dma_start3A_41 = tpu.memref_squeeze %dma_start3A_40 : memref<1x128xi32, #tpu.memory_space<vmem>> -> memref<128xi32, #tpu.memory_space<vmem>>
      %dma_start3A_42 = arith.constant 0 : i32
      %dma_start3A_43 = arith.constant 0 : i32
      %dma_start3A_44 = tpu.memref_slice %arg2[%dma_start3A_42, %dma_start3A_43] : memref<40960x128xf32, #tpu.memory_space<hbm>> -> memref<40960x128xf32, #tpu.memory_space<hbm>>
      tpu.enqueue_indirect_dma source(%dma_start3A_44 : memref<40960x128xf32, #tpu.memory_space<hbm>>) target(%arg9 : memref<128x128xf32, #tpu.memory_space<vmem>>) offsets(%dma_start3A_41 : memref<128xi32, #tpu.memory_space<vmem>>) semaphore(%arg14 : memref<!tpu.dma_semaphore, #tpu.memory_space<semaphore_mem>>)
      "tpu.region"() ({
        %run_scoped3A = tpu.sem_alloc : memref<!tpu.dma_semaphore, #tpu.memory_space<semaphore_mem>>
        %dma_start3A_55 = arith.constant 0 : i32
        %dma_start3A_56 = tpu.memref_slice %arg7[%mul3A_29, %dma_start3A_55] : memref<80x128xi32, #tpu.memory_space<vmem>> -> memref<1x128xi32, #tpu.memory_space<vmem>>
        %dma_start3A_57 = tpu.memref_squeeze %dma_start3A_56 : memref<1x128xi32, #tpu.memory_space<vmem>> -> memref<128xi32, #tpu.memory_space<vmem>>
        %dma_start3A_58 = arith.constant 0 : i32
        %dma_start3A_59 = arith.constant 0 : i32
        %dma_start3A_60 = tpu.memref_slice %arg12[%dma_start3A_58, %dma_start3A_59] : memref<2560x128xf32, #tpu.memory_space<vmem_shared>> -> memref<2560x128xf32, #tpu.memory_space<vmem_shared>>
        tpu.enqueue_indirect_dma source(%arg8 : memref<128x128xf32, #tpu.memory_space<vmem>>) target(%dma_start3A_60 : memref<2560x128xf32, #tpu.memory_space<vmem_shared>>) offsets(%dma_start3A_57 : memref<128xi32, #tpu.memory_space<vmem>>) semaphore(%run_scoped3A : memref<!tpu.dma_semaphore, #tpu.memory_space<semaphore_mem>>) {add = true}
        %dma_wait3A_61 = arith.constant 0 : i32
        %dma_wait3A_62 = tpu.memref_slice %arg7[%mul3A_29, %dma_wait3A_61] : memref<80x128xi32, #tpu.memory_space<vmem>> -> memref<1x128xi32, #tpu.memory_space<vmem>>
        %dma_wait3A_63 = tpu.memref_squeeze %dma_wait3A_62 : memref<1x128xi32, #tpu.memory_space<vmem>> -> memref<128xi32, #tpu.memory_space<vmem>>
        %dma_wait3A_64 = arith.constant 0 : i32
        %dma_wait3A_65 = arith.constant 0 : i32
        %dma_wait3A_66 = tpu.memref_slice %arg12[%dma_wait3A_64, %dma_wait3A_65] : memref<2560x128xf32, #tpu.memory_space<vmem_shared>> -> memref<2560x128xf32, #tpu.memory_space<vmem_shared>>
        tpu.wait_indirect_dma semaphore(%run_scoped3A : memref<!tpu.dma_semaphore, #tpu.memory_space<semaphore_mem>>) src(%arg8 : memref<128x128xf32, #tpu.memory_space<vmem>>) dst(%dma_wait3A_66 : memref<2560x128xf32, #tpu.memory_space<vmem_shared>>)
        tpu.yield
      }) : () -> ()
      %dma_wait3A_45 = arith.constant 0 : i32
      %dma_wait3A_46 = tpu.memref_slice %arg6[%add3A_33, %dma_wait3A_45] : memref<80x128xi32, #tpu.memory_space<vmem>> -> memref<1x128xi32, #tpu.memory_space<vmem>>
      %dma_wait3A_47 = tpu.memref_squeeze %dma_wait3A_46 : memref<1x128xi32, #tpu.memory_space<vmem>> -> memref<128xi32, #tpu.memory_space<vmem>>
      %dma_wait3A_48 = arith.constant 0 : i32
      %dma_wait3A_49 = arith.constant 0 : i32
      %dma_wait3A_50 = tpu.memref_slice %arg2[%dma_wait3A_48, %dma_wait3A_49] : memref<40960x128xf32, #tpu.memory_space<hbm>> -> memref<40960x128xf32, #tpu.memory_space<hbm>>
      tpu.wait_indirect_dma semaphore(%arg14 : memref<!tpu.dma_semaphore, #tpu.memory_space<semaphore_mem>>) src(%dma_wait3A_50 : memref<40960x128xf32, #tpu.memory_space<hbm>>) dst(%arg9 : memref<128x128xf32, #tpu.memory_space<vmem>>)
      %add3A_51 = arith.constant 1 : i32
      %add3A_52 = arith.addi %scan3A_27, %add3A_51 : i32
      %lt3A = arith.constant 40 : i32
      %lt3A_53 = arith.cmpi slt, %add3A_52, %lt3A : i32
      %convert_element_type3A = arith.extui %lt3A_53 : i1 to i32
      %cond3A = arith.constant 0 : i32
      %cond3A_54 = arith.cmpi ne, %convert_element_type3A, %cond3A : i32
      scf.if %cond3A_54 {
        %add3A_55 = arith.constant 1 : i32
        %add3A_56 = arith.addi %add3A_33, %add3A_55 : i32
        %dma_start3A_57 = arith.constant 0 : i32
        %dma_start3A_58 = tpu.memref_slice %arg6[%add3A_56, %dma_start3A_57] : memref<80x128xi32, #tpu.memory_space<vmem>> -> memref<1x128xi32, #tpu.memory_space<vmem>>
        %dma_start3A_59 = tpu.memref_squeeze %dma_start3A_58 : memref<1x128xi32, #tpu.memory_space<vmem>> -> memref<128xi32, #tpu.memory_space<vmem>>
        %dma_start3A_60 = arith.constant 0 : i32
        %dma_start3A_61 = arith.constant 0 : i32
        %dma_start3A_62 = tpu.memref_slice %arg2[%dma_start3A_60, %dma_start3A_61] : memref<40960x128xf32, #tpu.memory_space<hbm>> -> memref<40960x128xf32, #tpu.memory_space<hbm>>
        tpu.enqueue_indirect_dma source(%dma_start3A_62 : memref<40960x128xf32, #tpu.memory_space<hbm>>) target(%arg8 : memref<128x128xf32, #tpu.memory_space<vmem>>) offsets(%dma_start3A_59 : memref<128xi32, #tpu.memory_space<vmem>>) semaphore(%arg13 : memref<!tpu.dma_semaphore, #tpu.memory_space<semaphore_mem>>)
      } else {
      }
      "tpu.region"() ({
        %run_scoped3A = tpu.sem_alloc : memref<!tpu.dma_semaphore, #tpu.memory_space<semaphore_mem>>
        %dma_start3A_55 = arith.constant 0 : i32
        %dma_start3A_56 = tpu.memref_slice %arg7[%add3A_33, %dma_start3A_55] : memref<80x128xi32, #tpu.memory_space<vmem>> -> memref<1x128xi32, #tpu.memory_space<vmem>>
        %dma_start3A_57 = tpu.memref_squeeze %dma_start3A_56 : memref<1x128xi32, #tpu.memory_space<vmem>> -> memref<128xi32, #tpu.memory_space<vmem>>
        %dma_start3A_58 = arith.constant 0 : i32
        %dma_start3A_59 = arith.constant 0 : i32
        %dma_start3A_60 = tpu.memref_slice %arg12[%dma_start3A_58, %dma_start3A_59] : memref<2560x128xf32, #tpu.memory_space<vmem_shared>> -> memref<2560x128xf32, #tpu.memory_space<vmem_shared>>
        tpu.enqueue_indirect_dma source(%arg9 : memref<128x128xf32, #tpu.memory_space<vmem>>) target(%dma_start3A_60 : memref<2560x128xf32, #tpu.memory_space<vmem_shared>>) offsets(%dma_start3A_57 : memref<128xi32, #tpu.memory_space<vmem>>) semaphore(%run_scoped3A : memref<!tpu.dma_semaphore, #tpu.memory_space<semaphore_mem>>) {add = true}
        %dma_wait3A_61 = arith.constant 0 : i32
        %dma_wait3A_62 = tpu.memref_slice %arg7[%add3A_33, %dma_wait3A_61] : memref<80x128xi32, #tpu.memory_space<vmem>> -> memref<1x128xi32, #tpu.memory_space<vmem>>
        %dma_wait3A_63 = tpu.memref_squeeze %dma_wait3A_62 : memref<1x128xi32, #tpu.memory_space<vmem>> -> memref<128xi32, #tpu.memory_space<vmem>>
        %dma_wait3A_64 = arith.constant 0 : i32
        %dma_wait3A_65 = arith.constant 0 : i32
        %dma_wait3A_66 = tpu.memref_slice %arg12[%dma_wait3A_64, %dma_wait3A_65] : memref<2560x128xf32, #tpu.memory_space<vmem_shared>> -> memref<2560x128xf32, #tpu.memory_space<vmem_shared>>
        tpu.wait_indirect_dma semaphore(%run_scoped3A : memref<!tpu.dma_semaphore, #tpu.memory_space<semaphore_mem>>) src(%arg9 : memref<128x128xf32, #tpu.memory_space<vmem>>) dst(%dma_wait3A_66 : memref<2560x128xf32, #tpu.memory_space<vmem_shared>>)
        tpu.yield
      }) : () -> ()
    }
    %scan3A_19 = arith.constant 40 : i32
    %barrier3A_20 = arith.constant 0 : index
    tpu.barrier barrier_id(%barrier3A_20)
    "tpu.region"() ({
      %run_scoped3A = tpu.sem_alloc : memref<!tpu.dma_semaphore, #tpu.memory_space<semaphore_mem>>
      %dma_start3A_27 = arith.constant 0 : i32
      %dma_start3A_28 = tpu.memref_slice %arg12[%mul3A_2, %dma_start3A_27] : memref<2560x128xf32, #tpu.memory_space<vmem_shared>> -> memref<160x128xf32, #tpu.memory_space<vmem_shared>>
      %dma_start3A_29 = arith.constant 0 : i32
      %dma_start3A_30 = tpu.memref_slice %arg12[%mul3A_2, %dma_start3A_29] : memref<2560x128xf32, #tpu.memory_space<vmem_shared>> -> memref<160x128xf32, #tpu.memory_space<vmem_shared>>
      tpu.enqueue_dma source(%dma_start3A_30 : memref<160x128xf32, #tpu.memory_space<vmem_shared>>) target(%arg10 : memref<160x128xf32, #tpu.memory_space<vmem>>) target_semaphore(%run_scoped3A : memref<!tpu.dma_semaphore, #tpu.memory_space<semaphore_mem>>)
      %dma_wait3A = arith.constant 0 : i32
      %dma_wait3A_31 = tpu.memref_slice %arg12[%mul3A_2, %dma_wait3A] : memref<2560x128xf32, #tpu.memory_space<vmem_shared>> -> memref<160x128xf32, #tpu.memory_space<vmem_shared>>
      %dma_wait3A_32 = arith.constant 0 : i32
      %dma_wait3A_33 = tpu.memref_slice %arg12[%mul3A_2, %dma_wait3A_32] : memref<2560x128xf32, #tpu.memory_space<vmem_shared>> -> memref<160x128xf32, #tpu.memory_space<vmem_shared>>
      tpu.wait_dma2 semaphore(%run_scoped3A : memref<!tpu.dma_semaphore, #tpu.memory_space<semaphore_mem>>) src(%dma_wait3A_33 : memref<160x128xf32, #tpu.memory_space<vmem_shared>>) dst(%arg10 : memref<160x128xf32, #tpu.memory_space<vmem>>)
      tpu.yield
    }) : () -> ()
    %scan3A_21 = arith.constant 0 : i32
    %scan3A_22 = arith.constant 0 : i32
    %scan3A_23 = arith.constant 160 : i32
    %scan3A_24 = arith.addi %scan3A_22, %scan3A_23 : i32
    %scan3A_25 = arith.constant 1 : i32
    scf.for %scan3A_27 = %scan3A_22 to %scan3A_24 step %scan3A_25  : i32 {
      %get3A = arith.index_cast %scan3A_27 : i32 to index
      %get3A_28 = arith.constant 0 : index
      %get3A_29 = tpu.vector_load %arg10[%get3A, %get3A_28] {strides = array<i32>} : memref<160x128xf32, #tpu.memory_space<vmem>>, vector<16xf32>,
      %get3A_30 = arith.index_cast %scan3A_27 : i32 to index
      %get3A_31 = arith.constant 16 : index
      %get3A_32 = tpu.vector_load %arg10[%get3A_30, %get3A_31] {strides = array<i32>} : memref<160x128xf32, #tpu.memory_space<vmem>>, vector<16xf32>,
      %pack3A = tpu.pack_subelements %get3A_29, %get3A_32 {pack_format = #tpu.pack_format<interleaved>, positions = array<i32: 0, 1>} : vector<16xf32>, vector<16xf32> -> vector<32xbf16>
      %swap3A = arith.index_cast %scan3A_27 : i32 to index
      %swap3A_33 = arith.constant 0 : index
      %swap3A_34 = tpu.vector_load %arg11[%swap3A, %swap3A_33] {strides = array<i32>} : memref<160x128xbf16, #tpu.memory_space<vmem>>, vector<32xbf16>,
      tpu.vector_store %arg11[%swap3A, %swap3A_33], %pack3A {strides = array<i32>} : memref<160x128xbf16, #tpu.memory_space<vmem>>, vector<32xbf16>,
      %get3A_35 = arith.index_cast %scan3A_27 : i32 to index
      %get3A_36 = arith.constant 32 : index
      %get3A_37 = tpu.vector_load %arg10[%get3A_35, %get3A_36] {strides = array<i32>} : memref<160x128xf32, #tpu.memory_space<vmem>>, vector<16xf32>,
      %get3A_38 = arith.index_cast %scan3A_27 : i32 to index
      %get3A_39 = arith.constant 48 : index
      %get3A_40 = tpu.vector_load %arg10[%get3A_38, %get3A_39] {strides = array<i32>} : memref<160x128xf32, #tpu.memory_space<vmem>>, vector<16xf32>,
      %pack3A_41 = tpu.pack_subelements %get3A_37, %get3A_40 {pack_format = #tpu.pack_format<interleaved>, positions = array<i32: 0, 1>} : vector<16xf32>, vector<16xf32> -> vector<32xbf16>
      %swap3A_42 = arith.index_cast %scan3A_27 : i32 to index
      %swap3A_43 = arith.constant 32 : index
      %swap3A_44 = tpu.vector_load %arg11[%swap3A_42, %swap3A_43] {strides = array<i32>} : memref<160x128xbf16, #tpu.memory_space<vmem>>, vector<32xbf16>,
      tpu.vector_store %arg11[%swap3A_42, %swap3A_43], %pack3A_41 {strides = array<i32>} : memref<160x128xbf16, #tpu.memory_space<vmem>>, vector<32xbf16>,
      %get3A_45 = arith.index_cast %scan3A_27 : i32 to index
      %get3A_46 = arith.constant 64 : index
      %get3A_47 = tpu.vector_load %arg10[%get3A_45, %get3A_46] {strides = array<i32>} : memref<160x128xf32, #tpu.memory_space<vmem>>, vector<16xf32>,
      %get3A_48 = arith.index_cast %scan3A_27 : i32 to index
      %get3A_49 = arith.constant 80 : index
      %get3A_50 = tpu.vector_load %arg10[%get3A_48, %get3A_49] {strides = array<i32>} : memref<160x128xf32, #tpu.memory_space<vmem>>, vector<16xf32>,
      %pack3A_51 = tpu.pack_subelements %get3A_47, %get3A_50 {pack_format = #tpu.pack_format<interleaved>, positions = array<i32: 0, 1>} : vector<16xf32>, vector<16xf32> -> vector<32xbf16>
      %swap3A_52 = arith.index_cast %scan3A_27 : i32 to index
      %swap3A_53 = arith.constant 64 : index
      %swap3A_54 = tpu.vector_load %arg11[%swap3A_52, %swap3A_53] {strides = array<i32>} : memref<160x128xbf16, #tpu.memory_space<vmem>>, vector<32xbf16>,
      tpu.vector_store %arg11[%swap3A_52, %swap3A_53], %pack3A_51 {strides = array<i32>} : memref<160x128xbf16, #tpu.memory_space<vmem>>, vector<32xbf16>,
      %get3A_55 = arith.index_cast %scan3A_27 : i32 to index
      %get3A_56 = arith.constant 96 : index
      %get3A_57 = tpu.vector_load %arg10[%get3A_55, %get3A_56] {strides = array<i32>} : memref<160x128xf32, #tpu.memory_space<vmem>>, vector<16xf32>,
      %get3A_58 = arith.index_cast %scan3A_27 : i32 to index
      %get3A_59 = arith.constant 112 : index
      %get3A_60 = tpu.vector_load %arg10[%get3A_58, %get3A_59] {strides = array<i32>} : memref<160x128xf32, #tpu.memory_space<vmem>>, vector<16xf32>,
      %pack3A_61 = tpu.pack_subelements %get3A_57, %get3A_60 {pack_format = #tpu.pack_format<interleaved>, positions = array<i32: 0, 1>} : vector<16xf32>, vector<16xf32> -> vector<32xbf16>
      %swap3A_62 = arith.index_cast %scan3A_27 : i32 to index
      %swap3A_63 = arith.constant 96 : index
      %swap3A_64 = tpu.vector_load %arg11[%swap3A_62, %swap3A_63] {strides = array<i32>} : memref<160x128xbf16, #tpu.memory_space<vmem>>, vector<32xbf16>,
      tpu.vector_store %arg11[%swap3A_62, %swap3A_63], %pack3A_61 {strides = array<i32>} : memref<160x128xbf16, #tpu.memory_space<vmem>>, vector<32xbf16>,
    }
    %scan3A_26 = arith.constant 160 : i32
    "tpu.region"() ({
      %run_scoped3A = tpu.sem_alloc : memref<!tpu.dma_semaphore, #tpu.memory_space<semaphore_mem>>
      %dma_start3A_27 = arith.constant 0 : i32
      %dma_start3A_28 = tpu.memref_slice %arg5[%arg0, %mul3A_2, %dma_start3A_27] : memref<2x2560x128xbf16, #tpu.memory_space<hbm>> -> memref<1x160x128xbf16, #tpu.memory_space<hbm>>
      %dma_start3A_29 = tpu.memref_squeeze %dma_start3A_28 : memref<1x160x128xbf16, #tpu.memory_space<hbm>> -> memref<160x128xbf16, #tpu.memory_space<hbm>>
      %dma_start3A_30 = arith.constant 0 : i32
      %dma_start3A_31 = tpu.memref_slice %arg5[%arg0, %mul3A_2, %dma_start3A_30] : memref<2x2560x128xbf16, #tpu.memory_space<hbm>> -> memref<1x160x128xbf16, #tpu.memory_space<hbm>>
      %dma_start3A_32 = tpu.memref_squeeze %dma_start3A_31 : memref<1x160x128xbf16, #tpu.memory_space<hbm>> -> memref<160x128xbf16, #tpu.memory_space<hbm>>
      tpu.enqueue_dma source(%arg11 : memref<160x128xbf16, #tpu.memory_space<vmem>>) target(%dma_start3A_32 : memref<160x128xbf16, #tpu.memory_space<hbm>>) target_semaphore(%run_scoped3A : memref<!tpu.dma_semaphore, #tpu.memory_space<semaphore_mem>>)
      %dma_wait3A = arith.constant 0 : i32
      %dma_wait3A_33 = tpu.memref_slice %arg5[%arg0, %mul3A_2, %dma_wait3A] : memref<2x2560x128xbf16, #tpu.memory_space<hbm>> -> memref<1x160x128xbf16, #tpu.memory_space<hbm>>
      %dma_wait3A_34 = tpu.memref_squeeze %dma_wait3A_33 : memref<1x160x128xbf16, #tpu.memory_space<hbm>> -> memref<160x128xbf16, #tpu.memory_space<hbm>>
      %dma_wait3A_35 = arith.constant 0 : i32
      %dma_wait3A_36 = tpu.memref_slice %arg5[%arg0, %mul3A_2, %dma_wait3A_35] : memref<2x2560x128xbf16, #tpu.memory_space<hbm>> -> memref<1x160x128xbf16, #tpu.memory_space<hbm>>
      %dma_wait3A_37 = tpu.memref_squeeze %dma_wait3A_36 : memref<1x160x128xbf16, #tpu.memory_space<hbm>> -> memref<160x128xbf16, #tpu.memory_space<hbm>>
      tpu.wait_dma2 semaphore(%run_scoped3A : memref<!tpu.dma_semaphore, #tpu.memory_space<semaphore_mem>>) src(%arg11 : memref<160x128xbf16, #tpu.memory_space<vmem>>) dst(%dma_wait3A_37 : memref<160x128xbf16, #tpu.memory_space<hbm>>)
      tpu.yield
    }) : () -> ()
    return
  }
}

module attributes {stable_mosaic.version = 14 : i64} {
  func.func @_tc1(%arg0: memref<32x10240xf32, #tpu.memory_space<vmem>>, %arg1: memref<10240x128xf32, #tpu.memory_space<vmem>>, %arg2: memref<128x32xf32, #tpu.memory_space<vmem>>, %arg3: memref<10240xf32, #tpu.memory_space<vmem>>, %arg4: memref<4x10240x128xf32, #tpu.memory_space<vmem>>) attributes {dimension_semantics = [], scalar_prefetch = 0 : i64, scratch_operands = 0 : i64, tpu.core_type = #tpu.core_type<tc>} {
    %get3A = arith.constant 0 : index
    %get3A_0 = arith.constant 0 : index
    %get3A_1 = vector.load %arg0[%get3A, %get3A_0] : memref<32x10240xf32, #tpu.memory_space<vmem>>, vector<32x10240xf32>
    %reduce_sum3A = arith.constant dense<0.000000e+00> : vector<10240xf32>
    %reduce_sum3A_2 = vector.multi_reduction <add>, %get3A_1, %reduce_sum3A [0] : vector<32x10240xf32> to vector<10240xf32>
    %add3A = arith.constant 1.000000e+00 : f32
    %add3A_3 = vector.broadcast %add3A : f32 to vector<10240xf32>
    %add3A_4 = arith.addf %reduce_sum3A_2, %add3A_3 : vector<10240xf32>
    %rsqrt3A = math.rsqrt %add3A_4 : vector<10240xf32>
    %swap3A = arith.constant 0 : index
    %swap3A_5 = vector.load %arg3[%swap3A] : memref<10240xf32, #tpu.memory_space<vmem>>, vector<10240xf32>
    tpu.vector_store %arg3[%swap3A], %rsqrt3A {strides = array<i32>} : memref<10240xf32, #tpu.memory_space<vmem>>, vector<10240xf32>,
    %get3A_6 = arith.constant 0 : index
    %get3A_7 = arith.constant 0 : index
    %get3A_8 = vector.load %arg1[%get3A_6, %get3A_7] : memref<10240x128xf32, #tpu.memory_space<vmem>>, vector<10240x128xf32>
    %get3A_9 = arith.constant 0 : index
    %get3A_10 = arith.constant 0 : index
    %get3A_11 = vector.load %arg2[%get3A_9, %get3A_10] : memref<128x32xf32, #tpu.memory_space<vmem>>, vector<128x32xf32>
    %dot_general3A = arith.constant dense<0.000000e+00> : vector<10240x32xf32>
    %dot_general3A_12 = tpu.matmul %get3A_8, %get3A_11, %dot_general3A {dimension_numbers = #tpu.dot_dimension_numbers<[1], [0], [0], [1], [0, 0, 1, 1], [], []>, transpose_lhs_hint = false} : vector<10240x128xf32>, vector<128x32xf32>, vector<10240x32xf32> -> vector<10240x32xf32>
    %broadcast_in_dim3A = vector.shape_cast %rsqrt3A : vector<10240xf32> to vector<10240x1xf32>
    %mul3A = vector.broadcast %broadcast_in_dim3A : vector<10240x1xf32> to vector<10240x32xf32>
    %mul3A_13 = arith.mulf %dot_general3A_12, %mul3A : vector<10240x32xf32>
    %jit3A = arith.constant 0 : i32
    %convert_element_type3A = arith.sitofp %jit3A : i32 to f32
    %pad3A = vector.broadcast %convert_element_type3A : f32 to vector<10240x96xf32>
    %pad3A_14 = tpu.concatenate %mul3A_13, %pad3A in 1 : vector<10240x32xf32>, vector<10240x96xf32> -> vector<10240x128xf32>
    %swap3A_15 = arith.constant 0 : index
    %swap3A_16 = arith.constant 0 : index
    %swap3A_17 = arith.constant 0 : index
    %swap3A_18 = vector.load %arg4[%swap3A_15, %swap3A_16, %swap3A_17] : memref<4x10240x128xf32, #tpu.memory_space<vmem>>, vector<1x10240x128xf32>
    %swap3A_19 = vector.shape_cast %swap3A_18 : vector<1x10240x128xf32> to vector<10240x128xf32>
    %swap3A_20 = vector.shape_cast %pad3A_14 : vector<10240x128xf32> to vector<1x10240x128xf32>
    tpu.vector_store %arg4[%swap3A_15, %swap3A_16, %swap3A_17], %swap3A_20 {strides = array<i32>} : memref<4x10240x128xf32, #tpu.memory_space<vmem>>, vector<1x10240x128xf32>,
    %jit3A_21 = arith.constant 0 : i32
    %convert_element_type3A_22 = arith.sitofp %jit3A_21 : i32 to f32
    %pad3A_23 = vector.broadcast %convert_element_type3A_22 : f32 to vector<10240x32xf32>
    %pad3A_24 = tpu.concatenate %pad3A_23, %mul3A_13 in 1 : vector<10240x32xf32>, vector<10240x32xf32> -> vector<10240x64xf32>
    %pad3A_25 = vector.broadcast %convert_element_type3A_22 : f32 to vector<10240x64xf32>
    %pad3A_26 = tpu.concatenate %pad3A_24, %pad3A_25 in 1 : vector<10240x64xf32>, vector<10240x64xf32> -> vector<10240x128xf32>
    %swap3A_27 = arith.constant 1 : index
    %swap3A_28 = arith.constant 0 : index
    %swap3A_29 = arith.constant 0 : index
    %swap3A_30 = vector.load %arg4[%swap3A_27, %swap3A_28, %swap3A_29] : memref<4x10240x128xf32, #tpu.memory_space<vmem>>, vector<1x10240x128xf32>
    %swap3A_31 = vector.shape_cast %swap3A_30 : vector<1x10240x128xf32> to vector<10240x128xf32>
    %swap3A_32 = vector.shape_cast %pad3A_26 : vector<10240x128xf32> to vector<1x10240x128xf32>
    tpu.vector_store %arg4[%swap3A_27, %swap3A_28, %swap3A_29], %swap3A_32 {strides = array<i32>} : memref<4x10240x128xf32, #tpu.memory_space<vmem>>, vector<1x10240x128xf32>,
    %jit3A_33 = arith.constant 0 : i32
    %convert_element_type3A_34 = arith.sitofp %jit3A_33 : i32 to f32
    %pad3A_35 = vector.broadcast %convert_element_type3A_34 : f32 to vector<10240x64xf32>
    %pad3A_36 = tpu.concatenate %pad3A_35, %mul3A_13 in 1 : vector<10240x64xf32>, vector<10240x32xf32> -> vector<10240x96xf32>
    %pad3A_37 = vector.broadcast %convert_element_type3A_34 : f32 to vector<10240x32xf32>
    %pad3A_38 = tpu.concatenate %pad3A_36, %pad3A_37 in 1 : vector<10240x96xf32>, vector<10240x32xf32> -> vector<10240x128xf32>
    %swap3A_39 = arith.constant 2 : index
    %swap3A_40 = arith.constant 0 : index
    %swap3A_41 = arith.constant 0 : index
    %swap3A_42 = vector.load %arg4[%swap3A_39, %swap3A_40, %swap3A_41] : memref<4x10240x128xf32, #tpu.memory_space<vmem>>, vector<1x10240x128xf32>
    %swap3A_43 = vector.shape_cast %swap3A_42 : vector<1x10240x128xf32> to vector<10240x128xf32>
    %swap3A_44 = vector.shape_cast %pad3A_38 : vector<10240x128xf32> to vector<1x10240x128xf32>
    tpu.vector_store %arg4[%swap3A_39, %swap3A_40, %swap3A_41], %swap3A_44 {strides = array<i32>} : memref<4x10240x128xf32, #tpu.memory_space<vmem>>, vector<1x10240x128xf32>,
    %jit3A_45 = arith.constant 0 : i32
    %convert_element_type3A_46 = arith.sitofp %jit3A_45 : i32 to f32
    %pad3A_47 = vector.broadcast %convert_element_type3A_46 : f32 to vector<10240x96xf32>
    %pad3A_48 = tpu.concatenate %pad3A_47, %mul3A_13 in 1 : vector<10240x96xf32>, vector<10240x32xf32> -> vector<10240x128xf32>
    %swap3A_49 = arith.constant 3 : index
    %swap3A_50 = arith.constant 0 : index
    %swap3A_51 = arith.constant 0 : index
    %swap3A_52 = vector.load %arg4[%swap3A_49, %swap3A_50, %swap3A_51] : memref<4x10240x128xf32, #tpu.memory_space<vmem>>, vector<1x10240x128xf32>
    %swap3A_53 = vector.shape_cast %swap3A_52 : vector<1x10240x128xf32> to vector<10240x128xf32>
    %swap3A_54 = vector.shape_cast %pad3A_48 : vector<10240x128xf32> to vector<1x10240x128xf32>
    tpu.vector_store %arg4[%swap3A_49, %swap3A_50, %swap3A_51], %swap3A_54 {strides = array<i32>} : memref<4x10240x128xf32, #tpu.memory_space<vmem>>, vector<1x10240x128xf32>,
    return
  }
}

module attributes {stable_mosaic.version = 14 : i64} {
  func.func @_tcstep(%arg0: memref<10240x32xf32, #tpu.memory_space<vmem>>, %arg1: memref<10240x32xf32, #tpu.memory_space<vmem>>, %arg2: memref<10240xf32, #tpu.memory_space<vmem>>, %arg3: memref<32xf32, #tpu.memory_space<vmem>>, %arg4: memref<32x32xf32, #tpu.memory_space<vmem>>, %arg5: memref<10240x32xf32, #tpu.memory_space<vmem>>, %arg6: memref<4x10240x128xf32, #tpu.memory_space<vmem>>) attributes {dimension_semantics = [], scalar_prefetch = 0 : i64, scratch_operands = 0 : i64, tpu.core_type = #tpu.core_type<tc>} {
    %get3A = arith.constant 0 : index
    %get3A_0 = vector.load %arg2[%get3A] : memref<10240xf32, #tpu.memory_space<vmem>>, vector<10240xf32>
    %broadcast_in_dim3A = vector.shape_cast %get3A_0 : vector<10240xf32> to vector<10240x1xf32>
    %get3A_1 = arith.constant 0 : index
    %get3A_2 = arith.constant 0 : index
    %get3A_3 = vector.load %arg0[%get3A_1, %get3A_2] : memref<10240x32xf32, #tpu.memory_space<vmem>>, vector<10240x32xf32>
    %get3A_4 = arith.constant 0 : index
    %get3A_5 = arith.constant 0 : index
    %get3A_6 = vector.load %arg1[%get3A_4, %get3A_5] : memref<10240x32xf32, #tpu.memory_space<vmem>>, vector<10240x32xf32>
    %add3A = arith.addf %get3A_3, %get3A_6 : vector<10240x32xf32>
    %mul3A = vector.broadcast %broadcast_in_dim3A : vector<10240x1xf32> to vector<10240x32xf32>
    %mul3A_7 = arith.mulf %mul3A, %add3A : vector<10240x32xf32>
    %get3A_8 = arith.constant 0 : index
    %get3A_9 = vector.load %arg3[%get3A_8] : memref<32xf32, #tpu.memory_space<vmem>>, vector<32xf32>
    %broadcast_in_dim3A_10 = vector.shape_cast %get3A_9 : vector<32xf32> to vector<1x32xf32>
    %add3A_11 = vector.broadcast %broadcast_in_dim3A_10 : vector<1x32xf32> to vector<10240x32xf32>
    %add3A_12 = arith.addf %mul3A_7, %add3A_11 : vector<10240x32xf32>
    %swap3A = arith.constant 0 : index
    %swap3A_13 = arith.constant 0 : index
    %swap3A_14 = vector.load %arg5[%swap3A, %swap3A_13] : memref<10240x32xf32, #tpu.memory_space<vmem>>, vector<10240x32xf32>
    tpu.vector_store %arg5[%swap3A, %swap3A_13], %add3A_12 {strides = array<i32>} : memref<10240x32xf32, #tpu.memory_space<vmem>>, vector<10240x32xf32>,
    %max3A = arith.constant 0.000000e+00 : f32
    %max3A_15 = vector.broadcast %max3A : f32 to vector<10240x32xf32>
    %max3A_16 = arith.maximumf %add3A_12, %max3A_15 : vector<10240x32xf32>
    %get3A_17 = arith.constant 0 : index
    %get3A_18 = arith.constant 0 : index
    %get3A_19 = vector.load %arg4[%get3A_17, %get3A_18] : memref<32x32xf32, #tpu.memory_space<vmem>>, vector<32x32xf32>
    %dot_general3A = arith.constant dense<0.000000e+00> : vector<10240x32xf32>
    %dot_general3A_20 = tpu.matmul %max3A_16, %get3A_19, %dot_general3A {dimension_numbers = #tpu.dot_dimension_numbers<[1], [0], [0], [1], [0, 0, 1, 1], [], []>, transpose_lhs_hint = false} : vector<10240x32xf32>, vector<32x32xf32>, vector<10240x32xf32> -> vector<10240x32xf32>
    %broadcast_in_dim3A_21 = vector.shape_cast %get3A_0 : vector<10240xf32> to vector<10240x1xf32>
    %mul3A_22 = vector.broadcast %broadcast_in_dim3A_21 : vector<10240x1xf32> to vector<10240x32xf32>
    %mul3A_23 = arith.mulf %dot_general3A_20, %mul3A_22 : vector<10240x32xf32>
    %jit3A = arith.constant 0 : i32
    %convert_element_type3A = arith.sitofp %jit3A : i32 to f32
    %pad3A = vector.broadcast %convert_element_type3A : f32 to vector<10240x96xf32>
    %pad3A_24 = tpu.concatenate %mul3A_23, %pad3A in 1 : vector<10240x32xf32>, vector<10240x96xf32> -> vector<10240x128xf32>
    %swap3A_25 = arith.constant 0 : index
    %swap3A_26 = arith.constant 0 : index
    %swap3A_27 = arith.constant 0 : index
    %swap3A_28 = vector.load %arg6[%swap3A_25, %swap3A_26, %swap3A_27] : memref<4x10240x128xf32, #tpu.memory_space<vmem>>, vector<1x10240x128xf32>
    %swap3A_29 = vector.shape_cast %swap3A_28 : vector<1x10240x128xf32> to vector<10240x128xf32>
    %swap3A_30 = vector.shape_cast %pad3A_24 : vector<10240x128xf32> to vector<1x10240x128xf32>
    tpu.vector_store %arg6[%swap3A_25, %swap3A_26, %swap3A_27], %swap3A_30 {strides = array<i32>} : memref<4x10240x128xf32, #tpu.memory_space<vmem>>, vector<1x10240x128xf32>,
    %jit3A_31 = arith.constant 0 : i32
    %convert_element_type3A_32 = arith.sitofp %jit3A_31 : i32 to f32
    %pad3A_33 = vector.broadcast %convert_element_type3A_32 : f32 to vector<10240x32xf32>
    %pad3A_34 = tpu.concatenate %pad3A_33, %mul3A_23 in 1 : vector<10240x32xf32>, vector<10240x32xf32> -> vector<10240x64xf32>
    %pad3A_35 = vector.broadcast %convert_element_type3A_32 : f32 to vector<10240x64xf32>
    %pad3A_36 = tpu.concatenate %pad3A_34, %pad3A_35 in 1 : vector<10240x64xf32>, vector<10240x64xf32> -> vector<10240x128xf32>
    %swap3A_37 = arith.constant 1 : index
    %swap3A_38 = arith.constant 0 : index
    %swap3A_39 = arith.constant 0 : index
    %swap3A_40 = vector.load %arg6[%swap3A_37, %swap3A_38, %swap3A_39] : memref<4x10240x128xf32, #tpu.memory_space<vmem>>, vector<1x10240x128xf32>
    %swap3A_41 = vector.shape_cast %swap3A_40 : vector<1x10240x128xf32> to vector<10240x128xf32>
    %swap3A_42 = vector.shape_cast %pad3A_36 : vector<10240x128xf32> to vector<1x10240x128xf32>
    tpu.vector_store %arg6[%swap3A_37, %swap3A_38, %swap3A_39], %swap3A_42 {strides = array<i32>} : memref<4x10240x128xf32, #tpu.memory_space<vmem>>, vector<1x10240x128xf32>,
    %jit3A_43 = arith.constant 0 : i32
    %convert_element_type3A_44 = arith.sitofp %jit3A_43 : i32 to f32
    %pad3A_45 = vector.broadcast %convert_element_type3A_44 : f32 to vector<10240x64xf32>
    %pad3A_46 = tpu.concatenate %pad3A_45, %mul3A_23 in 1 : vector<10240x64xf32>, vector<10240x32xf32> -> vector<10240x96xf32>
    %pad3A_47 = vector.broadcast %convert_element_type3A_44 : f32 to vector<10240x32xf32>
    %pad3A_48 = tpu.concatenate %pad3A_46, %pad3A_47 in 1 : vector<10240x96xf32>, vector<10240x32xf32> -> vector<10240x128xf32>
    %swap3A_49 = arith.constant 2 : index
    %swap3A_50 = arith.constant 0 : index
    %swap3A_51 = arith.constant 0 : index
    %swap3A_52 = vector.load %arg6[%swap3A_49, %swap3A_50, %swap3A_51] : memref<4x10240x128xf32, #tpu.memory_space<vmem>>, vector<1x10240x128xf32>
    %swap3A_53 = vector.shape_cast %swap3A_52 : vector<1x10240x128xf32> to vector<10240x128xf32>
    %swap3A_54 = vector.shape_cast %pad3A_48 : vector<10240x128xf32> to vector<1x10240x128xf32>
    tpu.vector_store %arg6[%swap3A_49, %swap3A_50, %swap3A_51], %swap3A_54 {strides = array<i32>} : memref<4x10240x128xf32, #tpu.memory_space<vmem>>, vector<1x10240x128xf32>,
    %jit3A_55 = arith.constant 0 : i32
    %convert_element_type3A_56 = arith.sitofp %jit3A_55 : i32 to f32
    %pad3A_57 = vector.broadcast %convert_element_type3A_56 : f32 to vector<10240x96xf32>
    %pad3A_58 = tpu.concatenate %pad3A_57, %mul3A_23 in 1 : vector<10240x96xf32>, vector<10240x32xf32> -> vector<10240x128xf32>
    %swap3A_59 = arith.constant 3 : index
    %swap3A_60 = arith.constant 0 : index
    %swap3A_61 = arith.constant 0 : index
    %swap3A_62 = vector.load %arg6[%swap3A_59, %swap3A_60, %swap3A_61] : memref<4x10240x128xf32, #tpu.memory_space<vmem>>, vector<1x10240x128xf32>
    %swap3A_63 = vector.shape_cast %swap3A_62 : vector<1x10240x128xf32> to vector<10240x128xf32>
    %swap3A_64 = vector.shape_cast %pad3A_58 : vector<10240x128xf32> to vector<1x10240x128xf32>
    tpu.vector_store %arg6[%swap3A_59, %swap3A_60, %swap3A_61], %swap3A_64 {strides = array<i32>} : memref<4x10240x128xf32, #tpu.memory_space<vmem>>, vector<1x10240x128xf32>,
    return
  }
}

module attributes {stable_mosaic.version = 14 : i64} {
  func.func @_tc3(%arg0: memref<10240x32xf32, #tpu.memory_space<vmem>>, %arg1: memref<10240x32xf32, #tpu.memory_space<vmem>>, %arg2: memref<10240xf32, #tpu.memory_space<vmem>>, %arg3: memref<32xf32, #tpu.memory_space<vmem>>, %arg4: memref<32x1xf32, #tpu.memory_space<vmem>>, %arg5: memref<1xf32, #tpu.memory_space<vmem>>, %arg6: memref<10240xi32, #tpu.memory_space<vmem>>, %arg7: memref<3x1xf32, #tpu.memory_space<vmem>>, %arg8: memref<1xf32, #tpu.memory_space<vmem>>, %arg9: memref<16x1xf32, #tpu.memory_space<vmem>>) attributes {dimension_semantics = [], scalar_prefetch = 0 : i64, scratch_operands = 0 : i64, tpu.core_type = #tpu.core_type<tc>} {
    %get3A = arith.constant 0 : index
    %get3A_0 = vector.load %arg2[%get3A] : memref<10240xf32, #tpu.memory_space<vmem>>, vector<10240xf32>
    %broadcast_in_dim3A = vector.shape_cast %get3A_0 : vector<10240xf32> to vector<10240x1xf32>
    %get3A_1 = arith.constant 0 : index
    %get3A_2 = arith.constant 0 : index
    %get3A_3 = vector.load %arg0[%get3A_1, %get3A_2] : memref<10240x32xf32, #tpu.memory_space<vmem>>, vector<10240x32xf32>
    %get3A_4 = arith.constant 0 : index
    %get3A_5 = arith.constant 0 : index
    %get3A_6 = vector.load %arg1[%get3A_4, %get3A_5] : memref<10240x32xf32, #tpu.memory_space<vmem>>, vector<10240x32xf32>
    %add3A = arith.addf %get3A_3, %get3A_6 : vector<10240x32xf32>
    %mul3A = vector.broadcast %broadcast_in_dim3A : vector<10240x1xf32> to vector<10240x32xf32>
    %mul3A_7 = arith.mulf %mul3A, %add3A : vector<10240x32xf32>
    %get3A_8 = arith.constant 0 : index
    %get3A_9 = vector.load %arg3[%get3A_8] : memref<32xf32, #tpu.memory_space<vmem>>, vector<32xf32>
    %broadcast_in_dim3A_10 = vector.shape_cast %get3A_9 : vector<32xf32> to vector<1x32xf32>
    %add3A_11 = vector.broadcast %broadcast_in_dim3A_10 : vector<1x32xf32> to vector<10240x32xf32>
    %add3A_12 = arith.addf %mul3A_7, %add3A_11 : vector<10240x32xf32>
    %get3A_13 = arith.constant 0 : index
    %get3A_14 = arith.constant 0 : index
    %get3A_15 = vector.load %arg4[%get3A_13, %get3A_14] : memref<32x1xf32, #tpu.memory_space<vmem>>, vector<32x1xf32>
    %dot_general3A = arith.constant dense<0.000000e+00> : vector<10240x1xf32>
    %dot_general3A_16 = tpu.matmul %add3A_12, %get3A_15, %dot_general3A {dimension_numbers = #tpu.dot_dimension_numbers<[1], [0], [0], [1], [0, 0, 1, 1], [], []>, transpose_lhs_hint = false} : vector<10240x32xf32>, vector<32x1xf32>, vector<10240x1xf32> -> vector<10240x1xf32>
    %get3A_17 = arith.constant 0 : index
    %get3A_18 = vector.load %arg5[%get3A_17] : memref<1xf32, #tpu.memory_space<vmem>>, vector<1xf32>
    %get3A_19 = vector.extract %get3A_18[0] : f32 from vector<1xf32>
    %add3A_20 = vector.broadcast %get3A_19 : f32 to vector<10240x1xf32>
    %add3A_21 = arith.addf %dot_general3A_16, %add3A_20 : vector<10240x1xf32>
    %iota3A = tpu.iota {dimensions = array<i32: 1>} : vector<10240x16xi32>
    %get3A_22 = arith.constant 0 : index
    %get3A_23 = vector.load %arg6[%get3A_22] : memref<10240xi32, #tpu.memory_space<vmem>>, vector<10240xi32>
    %broadcast_in_dim3A_24 = vector.shape_cast %get3A_23 : vector<10240xi32> to vector<10240x1xi32>
    %eq3A = vector.broadcast %broadcast_in_dim3A_24 : vector<10240x1xi32> to vector<10240x16xi32>
    %eq3A_25 = arith.cmpi eq, %eq3A, %iota3A : vector<10240x16xi32>
    %jit3A = arith.constant 0.000000e+00 : f32
    %broadcast_in_dim3A_26 = vector.shape_cast %add3A_21 : vector<10240x1xf32> to vector<10240x1xf32>
    %broadcast_in_dim3A_27 = vector.broadcast %broadcast_in_dim3A_26 : vector<10240x1xf32> to vector<10240x16xf32>
    %broadcast_in_dim3A_28 = vector.broadcast %jit3A : f32 to vector<10240x16xf32>
    %select_n3A = arith.select %eq3A_25, %broadcast_in_dim3A_27, %broadcast_in_dim3A_28 : vector<10240x16xi1>, vector<10240x16xf32>
    %reduce_sum3A = arith.constant dense<0.000000e+00> : vector<16xf32>
    %reduce_sum3A_29 = vector.multi_reduction <add>, %select_n3A, %reduce_sum3A [0] : vector<10240x16xf32> to vector<16xf32>
    %jit3A_30 = arith.constant 1.000000e+00 : f32
    %jit3A_31 = arith.constant 0.000000e+00 : f32
    %broadcast_in_dim3A_32 = vector.broadcast %jit3A_30 : f32 to vector<10240x16xf32>
    %broadcast_in_dim3A_33 = vector.broadcast %jit3A_31 : f32 to vector<10240x16xf32>
    %select_n3A_34 = arith.select %eq3A_25, %broadcast_in_dim3A_32, %broadcast_in_dim3A_33 : vector<10240x16xi1>, vector<10240x16xf32>
    %reduce_sum3A_35 = arith.constant dense<0.000000e+00> : vector<16xf32>
    %reduce_sum3A_36 = vector.multi_reduction <add>, %select_n3A_34, %reduce_sum3A_35 [0] : vector<10240x16xf32> to vector<16xf32>
    %jit3A_37 = arith.constant 0xFF800000 : f32
    %broadcast_in_dim3A_38 = vector.shape_cast %add3A_21 : vector<10240x1xf32> to vector<10240x1xf32>
    %broadcast_in_dim3A_39 = vector.broadcast %broadcast_in_dim3A_38 : vector<10240x1xf32> to vector<10240x16xf32>
    %broadcast_in_dim3A_40 = vector.broadcast %jit3A_37 : f32 to vector<10240x16xf32>
    %select_n3A_41 = arith.select %eq3A_25, %broadcast_in_dim3A_39, %broadcast_in_dim3A_40 : vector<10240x16xi1>, vector<10240x16xf32>
    %reduce_max3A = arith.constant dense<0xFF800000> : vector<16xf32>
    %reduce_max3A_42 = vector.multi_reduction <maximumf>, %select_n3A_41, %reduce_max3A [0] : vector<10240x16xf32> to vector<16xf32>
    %max3A = arith.constant 1.000000e+00 : f32
    %max3A_43 = vector.broadcast %max3A : f32 to vector<16xf32>
    %max3A_44 = arith.maximumf %reduce_sum3A_36, %max3A_43 : vector<16xf32>
    %div3A = arith.divf %reduce_sum3A_29, %max3A_44 : vector<16xf32>
    %get3A_45 = arith.constant 0 : index
    %get3A_46 = arith.constant 0 : index
    %get3A_47 = vector.load %arg7[%get3A_45, %get3A_46] : memref<3x1xf32, #tpu.memory_space<vmem>>, vector<1x1xf32>
    %get3A_48 = vector.extract %get3A_47[0, 0] : f32 from vector<1x1xf32>
    %mul3A_49 = vector.broadcast %get3A_48 : f32 to vector<16xf32>
    %mul3A_50 = arith.mulf %reduce_sum3A_29, %mul3A_49 : vector<16xf32>
    %get3A_51 = arith.constant 1 : index
    %get3A_52 = arith.constant 0 : index
    %get3A_53 = vector.load %arg7[%get3A_51, %get3A_52] : memref<3x1xf32, #tpu.memory_space<vmem>>, vector<1x1xf32>
    %get3A_54 = vector.extract %get3A_53[0, 0] : f32 from vector<1x1xf32>
    %mul3A_55 = vector.broadcast %get3A_54 : f32 to vector<16xf32>
    %mul3A_56 = arith.mulf %div3A, %mul3A_55 : vector<16xf32>
    %add3A_57 = arith.addf %mul3A_50, %mul3A_56 : vector<16xf32>
    %get3A_58 = arith.constant 2 : index
    %get3A_59 = arith.constant 0 : index
    %get3A_60 = vector.load %arg7[%get3A_58, %get3A_59] : memref<3x1xf32, #tpu.memory_space<vmem>>, vector<1x1xf32>
    %get3A_61 = vector.extract %get3A_60[0, 0] : f32 from vector<1x1xf32>
    %mul3A_62 = vector.broadcast %get3A_61 : f32 to vector<16xf32>
    %mul3A_63 = arith.mulf %reduce_max3A_42, %mul3A_62 : vector<16xf32>
    %add3A_64 = arith.addf %add3A_57, %mul3A_63 : vector<16xf32>
    %get3A_65 = arith.constant 0 : index
    %get3A_66 = vector.load %arg8[%get3A_65] : memref<1xf32, #tpu.memory_space<vmem>>, vector<1xf32>
    %get3A_67 = vector.extract %get3A_66[0] : f32 from vector<1xf32>
    %add3A_68 = vector.broadcast %get3A_67 : f32 to vector<16xf32>
    %add3A_69 = arith.addf %add3A_64, %add3A_68 : vector<16xf32>
    %broadcast_in_dim3A_70 = vector.shape_cast %add3A_69 : vector<16xf32> to vector<16x1xf32>
    %swap3A = arith.constant 0 : index
    %swap3A_71 = arith.constant 0 : index
    %swap3A_72 = vector.load %arg9[%swap3A, %swap3A_71] : memref<16x1xf32, #tpu.memory_space<vmem>>, vector<16x1xf32>
    tpu.vector_store %arg9[%swap3A, %swap3A_71], %broadcast_in_dim3A_70 {strides = array<i32>} : memref<16x1xf32, #tpu.memory_space<vmem>>, vector<16x1xf32>,
    return
  }
}

</mosaic_0001>

<sc_bundles>
// kernel: kernel.11.cloned.1.call-start
scs
__scs_entry_jumppad:
0x0: {  	(pc) =	sbr.rel $0x88, $3  }
0x1: {  	(tag) =	ssettag $0x0;
	lr =	simm.s32 $0x1  }
0x2: {  	[smem:$0x3F96] =	sst lr;
	_ =	strace $0xD0000000  }
0x3: {  	_ = 	snop  }
0x4: {  	_ = 	snop  }
0x5: {  	_ = 	snop  }
0x6: {  	_ = 	snop  }
0x7: {  	_ = 	snop  }
__scs_overlays_trampoline_lowered:
0x8: {  	[smem:$0x3FA5] =	sst s0  }
0x9: {  	[smem:$0x3FA6] =	sst s1  }
0xa: {  	[smem:$0x3FA7] =	sst s2  }
0xb: {  	[smem:$0x3FA8] =	sst s3  }
0xc: {  	[smem:$0x3FA9] =	sst s4  }
0xd: {  	[smem:$0x3FAA] =	sst s5  }
0xe: {  	[smem:$0x3FAB] =	sst s6  }
0xf: {  	[smem:$0x3FAC] =	sst s7  }
0x10: {  	[smem:$0x3FAD] =	sst s8  }
0x11: {  	[smem:$0x3FAE] =	sst s9;
	s0 =	simm.s32 @!p0 $0x0  }
0x12: {  	s1 =	sld [smem:$0x3F94];
	s0 =	simm.s32 @p0 $0x1  }
0x13: {  	[smem:$0x3FAF] =	sst s0;
	s0 =	simm.s32 @!p1 $0x0  }
0x14: {  	s2 =	sld [smem:$0x3F93];
	s0 =	simm.s32 @p1 $0x1  }
0x15: {  	[smem:$0x3FB0] =	sst s0;
	s0 =	simm.s32 @!p2 $0x0  }
0x16: {  	s3 =	sld [smem:$0x3FDB];
	s0 =	simm.s32 @p2 $0x1  }
0x17: {  	s4 =	simm.s32 $0x1BF5;
	[smem:$0x3FB2] =	sst s0  }
0x18: {  	s0 =	sld [smem:$0x3F95];
	_ =	swait.ge [sflag:s4], $0x0  }
0x19: {  	s7 =	sld [smem:$0x3F96]  }
0x1a: {  	s8 =	sadd.s32 $0xFFFFE003, lr  }
0x1b: {  	s9 =	sadd.s32 $0xFFFFFEF7, lr;
	s5 =	simm.s32 $0xFFFFFFFF;
	p2 =	slt.u32 s8, $0xFFFFF086  }
0x1c: {  	p1 =	slt.u32 s9, $0xF7A;
	s5 =	simm.s32 @!p2 $0x0  }
0x1d: {  	s5 =	simm.s32 @p1 $0x1;
	p0 =	seq.s32 s7, s2  }
0x1e: {  	s7 =	smul.u32 @!p0 $0xF7A, s2;
	p2 =	seq.s32 @!p0 s5, $0x0  }
0x1f: {  	s9 =	smul.u32 $0xF7A, s1;
	s8 =	simm.s32 @!p0 $0x1BF5;
	p2 =	por !p2, p0  }
0x20: {  	[sflag:s8] =	ssyncset.s32 @!p0 $0xFFFFF086;
	s6 =	sadd.s32 @!p0 s3, s7;
	s7 =	simm.s32 @!p0 $0x108  }
0x21: {  	s3 =	sadd.s32 s3, s9;
	s6 =	sadd.s32 @!p0 $0x88, s6;
	s7 =	simm.s32 @p2 $0x1082  }
0x22: {  	[simem:s7], [sflag:s8] =	dma.local @!p0 [hbm:s6], $0xF7A  }
0x23: {  	s9 =	sor.u32 $0xD0000000, s2;
	s6 =	simm.s32 $0x108;
	_ =	swait.ge @!p0 [sflag:s8], $0x0  }
0x24: {  	s3 =	sadd.s32 $0x88, s3;
	s6 =	simm.s32 @!p1 $0x1082;
	[sflag:s4] =	ssyncset.s32 $0xFFFFF086  }
0x25: {  	[simem:s6], [sflag:s4] =	dma.local [hbm:s3], $0xF7A  }
0x26: {  	[smem:$0x3F96] =	sst s1;
	(tag) =	ssettag s2;
	_ =	strace s9  }
0x27: {  	s1 =	sld [smem:$0x3FA6]  }
0x28: {  	s2 =	sld [smem:$0x3FA7]  }
0x29: {  	s4 =	sld [smem:$0x3FA9]  }
0x2a: {  	p0 =	seq.s32 s5, $0x0;
	s5 =	sld [smem:$0x3FAA]  }
0x2b: {  	s6 =	sld [smem:$0x3FAB]  }
0x2c: {  	s7 =	sld [smem:$0x3FAC]  }
0x2d: {  	s3 =	simm.s32 $0x108;
	s8 =	sld [smem:$0x3FAD]  }
0x2e: {  	s3 =	simm.s32 @!p0 $0x1082;
	s9 =	sld [smem:$0x3FAE]  }
0x2f: {  	lr =	sadd.s32 s0, s3;
	s0 =	sld [smem:$0x3FA5]  }
0x30: {  	s3 =	sld [smem:$0x3FA8]  }
0x31: {  	[smem:$0x3FB1] =	sst s10  }
0x32: {  	s10 =	sld [smem:$0x3FAF];
	_ =	sdelay $0x3  }
0x33: {  	p0 =	seq.s32 s10, $0x1;
	s10 =	sld [smem:$0x3FB1];
	_ =	sdelay $0x3  }
0x34: {  	[smem:$0x3FB1] =	sst s10  }
0x35: {  	s10 =	sld [smem:$0x3FB0];
	_ =	sdelay $0x3  }
0x36: {  	p1 =	seq.s32 s10, $0x1;
	s10 =	sld [smem:$0x3FB1];
	_ =	sdelay $0x3  }
0x37: {  	[smem:$0x3FB1] =	sst s10  }
0x38: {  	s10 =	sld [smem:$0x3FB2]  }
0x39: {  	_ = 	snop;
	(pc) =	sbr.ind lr, $3  }
0x3a: {  	_ = 	snop  }
0x3b: {  	_ = 	snop  }
0x3c: {  	p2 =	seq.s32 s10, $0x1;
	s10 =	sld [smem:$0x3FB1]  }
0x3d: {  	_ =	shalt  }
0x3e: {  	_ =	shalt  }
0x3f: {  	_ =	shalt  }
0x40: {  	_ =	shalt  }
0x41: {  	_ =	shalt  }
0x42: {  	_ =	shalt  }
0x43: {  	_ =	shalt  }
0x44: {  	_ =	shalt  }
0x45: {  	_ =	shalt  }
0x46: {  	_ =	shalt  }
0x47: {  	_ =	shalt  }
0x48: {  	_ =	shalt  }
0x49: {  	_ =	shalt  }
0x4a: {  	_ =	shalt  }
0x4b: {  	_ =	shalt  }
0x4c: {  	_ =	shalt  }
0x4d: {  	_ =	shalt  }
0x4e: {  	_ =	shalt  }
0x4f: {  	_ =	shalt  }
0x50: {  	_ =	shalt  }
0x51: {  	_ =	shalt  }
0x52: {  	_ =	shalt  }
0x53: {  	_ =	shalt  }
0x54: {  	_ =	shalt  }
0x55: {  	_ =	shalt  }
0x56: {  	_ =	shalt  }
0x57: {  	_ =	shalt  }
0x58: {  	_ =	shalt  }
0x59: {  	_ =	shalt  }
0x5a: {  	_ =	shalt  }
0x5b: {  	_ =	shalt  }
0x5c: {  	_ =	shalt  }
0x5d: {  	_ =	shalt  }
0x5e: {  	_ =	shalt  }
0x5f: {  	_ =	shalt  }
0x60: {  	_ =	shalt  }
0x61: {  	_ =	shalt  }
0x62: {  	_ =	shalt  }
0x63: {  	_ =	shalt  }
0x64: {  	_ =	shalt  }
0x65: {  	_ =	shalt  }
0x66: {  	_ =	shalt  }
0x67: {  	_ =	shalt  }
0x68: {  	_ =	shalt  }
0x69: {  	_ =	shalt  }
0x6a: {  	_ =	shalt  }
0x6b: {  	_ =	shalt  }
0x6c: {  	_ =	shalt  }
0x6d: {  	_ =	shalt  }
0x6e: {  	_ =	shalt  }
0x6f: {  	_ =	shalt  }
0x70: {  	_ =	shalt  }
0x71: {  	_ =	shalt  }
0x72: {  	_ =	shalt  }
0x73: {  	_ =	shalt  }
0x74: {  	_ =	shalt  }
0x75: {  	_ =	shalt  }
0x76: {  	_ =	shalt  }
0x77: {  	_ =	shalt  }
0x78: {  	_ =	shalt  }
0x79: {  	_ =	shalt  }
0x7a: {  	_ =	shalt  }
0x7b: {  	_ =	shalt  }
0x7c: {  	_ =	shalt  }
0x7d: {  	_ =	shalt  }
0x7e: {  	_ =	shalt  }
0x7f: {  	_ =	shalt  }
0x80: {  	_ =	shalt  }
0x81: {  	_ =	shalt  }
0x82: {  	_ =	shalt  }
0x83: {  	_ =	shalt  }
0x84: {  	_ =	shalt  }
0x85: {  	_ =	shalt  }
0x86: {  	_ =	shalt  }
0x87: {  	_ =	shalt  }
.Lfunc_end0:
.L_simem_size_0:
called_computation.1_lowered:
.L_overlay_start_0:
0x88: {  	s2 =	sld [smem:$0x3FD9]  }
0x89: {  	s3 =	sld [smem:$0x3FFE];
	_ =	sdelay $0x1  }
0x8a: {  	s1 =	srdreg.scid  }
0x8b: {  	s0 =	sand.u32 $0x1, s1  }
0x8c: {  	s16 =	sshll.u32 s0, $0xA;
	s2 =	sadd.s32 s3, s2  }
0x8d: {  	s2 =	sadd.s32 s2, s16  }
0x8e: {  	[smem:$0x3FBD] =	sst s2  }
0x8f: {  	_ = 	snop  }
0x90: {  	(tm) =	ssettm $0x1  }
0x91: {  	s17 =	sld [smem:$0x3FFB];
	_ =	sdelay $0x3  }
0x92: {  	_ =	strace s17  }
0x93: {  	s2 =	sld [smem:$0x3FFC];
	_ =	sdelay $0x3  }
0x94: {  	_ =	strace s2  }
0x95: {  	s2 =	sld [smem:$0x3FFD];
	_ =	sdelay $0x3  }
0x96: {  	_ =	strace s2  }
0x97: {  	_ =	strace $0x8FFFFFFF  }
0x98: {  	s18 =	sld [smem:$0x3FDB];
	_ =	sdelay $0x1  }
0x99: {  	s19 =	simm.s32 $_scs_section_size  }
0x9a: {  	s4 =	simm.s32 $_size__tile_overlayer_lowered;
	s5 =	simm.s32 $_tile_overlayer_lowered  }
0x9b: {  	s22 =	simm.s32 $0x1BFF;
	s21 =	sshll.u32 s5, $0x1;
	s2 =	sadd.s32 s19, s18  }
0x9c: {  	s6 =	simm.s32 $0x0;
	s20 =	sshll.u32 s4, $0x1;
	s4 =	sadd.s32 s21, s2  }
0x9d: {  	[timem:s6], [sflag:s22] =	dma.local [hbm:s4], s20  }
0x9e: {  	_ =	swait.ge [sflag:s22], s20  }
0x9f: {  	s3 =	ssub.s32 $0x0, s20;
	[sflag:s22] =	ssyncset.done $0x0  }
0xa0: {  	[sflag:s22] =	ssyncadd.s32 s3;
	_ =	sdelay $0x1  }
0xa1: {  	s23 =	simm.s32 $0x1B8B  }
0xa2: {  	_ =	swait.ge [sflag:s23], $0x1  }
0xa3: {  	[sflag:s23] =	ssyncset.done $0x0  }
0xa4: {  	s25 =	simm.s32 $0x1B8E;
	s24 =	sld [smem:$0x3FFE];
	[sflag:s23] =	ssyncadd.s32 $0xFFFFFFFF  }
0xa5: {  	s26 =	simm.s32 $execute0_lowered;
	[smem:$0x3FD2] =	sst s25  }
0xa6: {  	s4 =	sshll.u32 s26, $0x1;
	_ =	strace $0x80000049;
	[dreg:$0x1] =	wrdreg $0xFFFFFFFF  }
0xa7: {  	s28 =	simm.s32 $_size_execute0_lowered;
	s2 =	sadd.s32 s2, s4;
	[dreg:$0x0] =	wrdreg $0x0  }
0xa8: {  	s4 =	sshll.u32 s28, $0x1;
	[dreg:$0x2] =	wrdreg s2  }
0xa9: {  	[dreg:$0x3] =	wrdreg s4  }
0xaa: {  	[dreg:$0x4] =	wrdreg $0xC0  }
0xab: {  	_ =	task [dreg:s6], $0x5FFFF  }
0xac: {  	[dreg:$0x1] =	wrdreg $0xFFFFFFFF  }
0xad: {  	[dreg:$0x0] =	wrdreg $0x60  }
0xae: {  	[dreg:$0x2] =	wrdreg s24  }
0xaf: {  	[dreg:$0x3] =	wrdreg $0x148000  }
0xb0: {  	[dreg:$0x4] =	wrdreg $0x9  }
0xb1: {  	_ =	task.clear_ibuf [dreg:s6], $0x5FFFF;
	_ =	strace $0x90000049  }
0xb2: {  	s29 =	simm.s32 $0x9;
	_ =	strace $0x8000004B  }
0xb3: {  	_ =	swait.ge [sflag:s29], $0x1  }
0xb4: {  	[sflag:s29] =	ssyncadd.s32 $0xFFFFFFFF  }
0xb5: {  	_ =	strace $0x9000004B  }
0xb6: {  	_ =	sfence  }
0xb7: {  	s30 =	sld [smem:$0x0];
	_ =	sdelay $0x2  }
0xb8: {  	s31 =	sshll.u32 s1, $0xD;
	s1 =	sshrl.u32 s1, $0x2  }
0xb9: {  	s3 =	sand.u32 $0x4000, s31;
	s1 =	sadd.s32 s1, s30  }
0xba: {  	s0 =	sor.u32 s3, s0;
	s1 =	sshll.u32 s1, $0x11  }
0xbb: {  	s0 =	sor.u32 s1, s0  }
0xbc: {  	s0 =	sadd.s32 $0x8F2B, s0  }
0xbd: {  	[sflag:s0] =	ssyncadd.remote.s32 $0x1  }
0xbe: {  	_ =	sfence.sel $0xFFFF  }
0xbf: {  	[dreg:$0x0] =	wrdreg $0xFFFFFFFF;
	(pc) =	sbr.abs _section_cstart, $3  }
0xc0: {  	[dreg:$0x1] =	wrdreg $0xFFFFFFFF  }
0xc1: {  	_ =	task.clear_ibuf [dreg:s6], $0x2FFFF;
	_ =	strace $0x9FFFFFFF  }
0xc2: {  	(tm) =	ssettm $0x7FFFFFFF  }
0xc3: {  	_ =	shalt  }
tec
execute0_lowered:
.L_overlay_start_1:
0x0: {  	(tag) =	ssettag $0x1  }
0x1: {  	s5 =	rddreg [dreg:$0x0]  }
0x2: {  	s1 =	rddreg [dreg:$0x1];
	s2 =	srdreg.scid  }
0x3: {  	s0 =	rddreg [dreg:$0x2];
	s3 =	simm.s32 $0x0;
	s12 =	simm.s32 $0x2800  }
0x4: {  	s13 =	simm.s32 $0x80;
	s14 =	simm.s32 $0x5000;
	s15 =	simm.s32 $0x1  }
0x5: {  	s16 =	simm.s32 $0x9000;
	s17 =	simm.s32 $0x2;
	s18 =	simm.s32 $0x2780  }
0x6: {  	s19 =	simm.s32 $0x4F00;
	s20 =	simm.s32 $0x4F80;
	s21 =	simm.s32 $0x12000  }
0x7: {  	s22 =	simm.s32 $0x0;
	s6 =	sand.u32 $0x1, s2;
	s2 =	stileid.u32  }
0x8: {  	[smem:$0x7FF] =	sst s3;
	s4 =	sshll.u32 s6, $0x4;
	s7 =	smul.u32 $0x50000, s6  }
0x9: {  	s9 =	smul.u32 $0x5000, s2;
	_ =	strace $0x8000004A;
	s6 =	ssub.s32 $0x2, s6  }
0xa: {  	s30 =	smul.u32 $0x14000, s2;
	s8 =	sor.u32 s2, s4;
	s4 =	sadd.s32 $0x2A800, s5  }
0xb: {  	s10 =	sshrl.u32 s6, $0x1;
	s8 =	smul.u32 $0x500, s8;
	s7 =	sadd.s32 s9, s7  }
0xc: {  	s10 =	ssub.s32 s6, s10;
	s31 =	sshrl.u32 s30, $0x2;
	s7 =	sshrl.u32 s7, $0x4  }
0xd: {  	s9 =	smax.u32 s10, $0x1;
	s10 =	simm.s32 $0xD000;
	s8 =	sadd.s32 s8, s5  }
0xe: {  	s11 =	sadd.s32 s7, s5;
	s5 =	sadd.s32 s31, s1;
	s6 =	sadd.s32 $0x20800, s8  }
0xf: {  	v0 =	vimm.f32 $0.0e+00;
	s7 =	sadd.s32 $0x16800, s8;
	s8 =	sadd.s32 $0x2800, s11;
	s11 =	simm.s32 $0x3  }
.LBB2_1:
0x10: {  	s23 =	simm.s32 $0x0;
	s24 =	simm.s32 $0x200  }
.LBB2_2:
0x11: {  	p0 =	sne.s32 s24, $0x13E00;
	[tilespmem:s23+$0xD070] =	vst v0  }
0x12: {  	[tilespmem:s23+$0xD000] =	vst v0  }
0x13: {  	[tilespmem:s23+$0xD010] =	vst v0  }
.Ltmp0:
0x14: {  	[tilespmem:s23+$0xD020] =	vst v0;
	(pc) =	sbr.rel @p0 .LBB2_2-.Ltmp0, $4  }
0x15: {  	[tilespmem:s23+$0xD030] =	vst v0  }
0x16: {  	[tilespmem:s23+$0xD040] =	vst v0  }
0x17: {  	[tilespmem:s23+$0xD050] =	vst v0  }
0x18: {  	[tilespmem:s23+$0xD060] =	vst v0;
	s23 =	sshra.s32 s24, $0x2;
	s24 =	sadd.s32 $0x200, s24  }
0x19: {  	[tilespmem:s23+$0xD070] =	vst v0  }
0x1a: {  	[tilespmem:s23+$0xD000] =	vst v0  }
0x1b: {  	[tilespmem:s23+$0xD010] =	vst v0  }
0x1c: {  	[tilespmem:s23+$0xD020] =	vst v0  }
0x1d: {  	[tilespmem:s23+$0xD030] =	vst v0  }
0x1e: {  	[tilespmem:s23+$0xD040] =	vst v0  }
0x1f: {  	[tilespmem:s23+$0xD050] =	vst v0  }
0x20: {  	[tilespmem:s23+$0xD060] =	vst v0  }
0x21: {  	[spmem:s5] =	stream.linear.scatter [tilespmem:s10], [sflag:$0x3], $0x5000, $0x38;
	[tilespmem:$0x19800] =	vst v63  }
0x22: {  	_ =	swait.ge [sflag:s11], $0x5000  }
0x23: {  	[sflag:s11] =	ssyncset.done $0x0  }
0x24: {  	s26 =	simm.s32 $0x0;
	[sflag:s11] =	ssyncadd.s32 $0xFFFFB000  }
0x25: {  	[tilespmem:s26], [sflag:$0x3] =	stream.linear.gather [hbm4b:s6+s26], $0x2800, $0x38;
	[tilespmem:$0x19800] =	vst v63  }
0x26: {  	_ =	swait.ge [sflag:s11], $0x2800  }
0x27: {  	[sflag:s11] =	ssyncset.done $0x0  }
0x28: {  	[sflag:s11] =	ssyncadd.s32 $0xFFFFD800  }
0x29: {  	[tilespmem:s12], [sflag:$0x3] =	stream.linear.gather [hbm4b:s7+s26], $0x2800, $0x38;
	[tilespmem:$0x19800] =	vst v63  }
0x2a: {  	_ =	swait.ge [sflag:s11], $0x2800  }
0x2b: {  	[sflag:s11] =	ssyncset.done $0x0  }
0x2c: {  	[sflag:s11] =	ssyncadd.s32 $0xFFFFD800  }
0x2d: {  	[bflag:$0x0] =	sbarrier.arrive $0xFFFF  }
0x2e: {  	[tilespmem:s14], [sflag:$0x1] =	stream.indirect.gather [hbm4b:s4+s13], $0x80, s26, s13, $0xb8;
	[tilespmem:$0x19800] =	vst v63  }
0x2f: {  	_ =	swait.ge [sflag:s15], $0x4000  }
0x30: {  	[sflag:s15] =	ssyncset.done $0x0  }
0x31: {  	s28 =	simm.s32 $0x80;
	[sflag:s15] =	ssyncadd.s32 $0xFFFFC000  }
0x32: {  	[tilespmem:s16], [sflag:$0x2] =	stream.indirect.gather [hbm4b:s4+s13], $0x80, s28, s13, $0xb8;
	[tilespmem:$0x19800] =	vst v63  }
0x33: {  	s29 =	simm.s32 $0x2800  }
0x34: {  	[spmem:s1] =	stream.indirect.scatter.add.f32 [tilespmem:s14], [sflag:$0x3], $0x80, s29, s13, $0xb8;
	[tilespmem:$0x19800] =	vst v63  }
0x35: {  	_ =	swait.ge [sflag:s11], $0x4000  }
0x36: {  	[sflag:s11] =	ssyncset.done $0x0  }
0x37: {  	[sflag:s11] =	ssyncadd.s32 $0xFFFFC000  }
0x38: {  	_ =	swait.ge [sflag:s17], $0x4000  }
0x39: {  	[sflag:s17] =	ssyncset.done $0x0  }
0x3a: {  	s30 =	simm.s32 $0x100;
	[sflag:s17] =	ssyncadd.s32 $0xFFFFC000  }
0x3b: {  	[tilespmem:s14], [sflag:$0x1] =	stream.indirect.gather [hbm4b:s4+s13], $0x80, s30, s13, $0xb8;
	[tilespmem:$0x19800] =	vst v63  }
0x3c: {  	s31 =	simm.s32 $0x2880  }
0x3d: {  	[spmem:s1] =	stream.indirect.scatter.add.f32 [tilespmem:s16], [sflag:$0x3], $0x80, s31, s13, $0xb8;
	[tilespmem:$0x19800] =	vst v63  }
0x3e: {  	_ =	swait.ge [sflag:s11], $0x4000  }
0x3f: {  	s23 =	simm.s32 $0x400;
	[sflag:s11] =	ssyncset.done $0x0  }
.LBB2_4:
0x40: {  	p0 =	sne.s32 s23, $0x9800  }
0x41: {  	[sflag:s11] =	ssyncadd.s32 $0xFFFFC000;
	s24 =	smov.u32 s23;
	s23 =	sadd.s32 $0x400, s23  }
0x42: {  	_ = 	snop  }
0x43: {  	_ =	swait.ge [sflag:s15], $0x4000  }
0x44: {  	s24 =	sshra.s32 s24, $0x2;
	[sflag:s15] =	ssyncset.done $0x0  }
0x45: {  	s25 =	sadd.s32 $0x80, s24;
	[sflag:s15] =	ssyncadd.s32 $0xFFFFC000  }
0x46: {  	[tilespmem:s16], [sflag:$0x2] =	stream.indirect.gather [hbm4b:s4+s13], $0x80, s25, s13, $0xb8;
	[tilespmem:$0x19800] =	vst v63  }
0x47: {  	s25 =	sadd.s32 $0x2800, s24  }
0x48: {  	[spmem:s1] =	stream.indirect.scatter.add.f32 [tilespmem:s14], [sflag:$0x3], $0x80, s25, s13, $0xb8;
	[tilespmem:$0x19800] =	vst v63  }
0x49: {  	_ =	swait.ge [sflag:s11], $0x4000  }
0x4a: {  	[sflag:s11] =	ssyncset.done $0x0  }
0x4b: {  	[sflag:s11] =	ssyncadd.s32 $0xFFFFC000  }
0x4c: {  	_ =	swait.ge [sflag:s17], $0x4000  }
0x4d: {  	[sflag:s17] =	ssyncset.done $0x0  }
0x4e: {  	s25 =	sadd.s32 $0x100, s24;
	[sflag:s17] =	ssyncadd.s32 $0xFFFFC000  }
0x4f: {  	[tilespmem:s14], [sflag:$0x1] =	stream.indirect.gather [hbm4b:s4+s13], $0x80, s25, s13, $0xb8;
	[tilespmem:$0x19800] =	vst v63  }
.Ltmp1:
0x50: {  	_ = 	snop;
	(pc) =	sbr.rel @p0 .LBB2_4-.Ltmp1, $4  }
0x51: {  	s24 =	sadd.s32 $0x2880, s24  }
0x52: {  	[spmem:s1] =	stream.indirect.scatter.add.f32 [tilespmem:s16], [sflag:$0x3], $0x80, s24, s13, $0xb8;
	[tilespmem:$0x19800] =	vst v63  }
0x53: {  	_ =	swait.ge [sflag:s11], $0x4000  }
0x54: {  	[sflag:s11] =	ssyncset.done $0x0  }
0x55: {  	[sflag:s11] =	ssyncadd.s32 $0xFFFFC000  }
0x56: {  	_ =	swait.ge [sflag:s15], $0x4000  }
0x57: {  	[sflag:s15] =	ssyncset.done $0x0  }
0x58: {  	[sflag:s15] =	ssyncadd.s32 $0xFFFFC000  }
0x59: {  	[tilespmem:s16], [sflag:$0x2] =	stream.indirect.gather [hbm4b:s4+s13], $0x80, s18, s13, $0xb8;
	[tilespmem:$0x19800] =	vst v63  }
0x5a: {  	_ = 	snop  }
0x5b: {  	[spmem:s1] =	stream.indirect.scatter.add.f32 [tilespmem:s14], [sflag:$0x3], $0x80, s19, s13, $0xb8;
	[tilespmem:$0x19800] =	vst v63  }
0x5c: {  	_ =	swait.ge [sflag:s11], $0x4000  }
0x5d: {  	[sflag:s11] =	ssyncset.done $0x0  }
0x5e: {  	[sflag:s11] =	ssyncadd.s32 $0xFFFFC000  }
0x5f: {  	_ =	swait.ge [sflag:s17], $0x4000  }
0x60: {  	[sflag:s17] =	ssyncset.done $0x0  }
0x61: {  	[sflag:s17] =	ssyncadd.s32 $0xFFFFC000  }
0x62: {  	[spmem:s1] =	stream.indirect.scatter.add.f32 [tilespmem:s16], [sflag:$0x3], $0x80, s20, s13, $0xb8;
	[tilespmem:$0x19800] =	vst v63  }
0x63: {  	_ =	swait.ge [sflag:s11], $0x4000  }
0x64: {  	[sflag:s11] =	ssyncset.done $0x0  }
0x65: {  	[sflag:s11] =	ssyncadd.s32 $0xFFFFC000  }
0x66: {  	[bflag:$0x0] =	sbarrier.arrive $0xFFFF  }
0x67: {  	[tilespmem:s10], [sflag:$0x3] =	stream.linear.gather [spmem:s5], $0x5000, $0x38;
	[tilespmem:$0x19800] =	vst v63  }
0x68: {  	_ =	swait.ge [sflag:s11], $0x5000  }
0x69: {  	[sflag:s11] =	ssyncset.done $0x0  }
0x6a: {  	s23 =	simm.s32 $0xD040;
	[sflag:s11] =	ssyncadd.s32 $0xFFFFB000  }
0x6b: {  	v1 =	vld [tilespmem:s23+$0xFFFFFFC0]  }
0x6c: {  	v2 =	vld [tilespmem:s23+$0xFFFFFFD0];
	_ =	sdelay $0x2  }
0x6d: {  	s24 =	simm.s32 $0x0  }
0x6e: {  	s25 =	sand.u32 $0x7F00, s24  }
0x6f: {  	s25 =	sshrl.u32 s25, $0x1;
	v1 =	vpack.i.f32.bf16 v2, v1  }
0x70: {  	[tilespmem:s25+$0x12000] =	vst v1  }
0x71: {  	v1 =	vld [tilespmem:s23+$0xFFFFFFE0]  }
0x72: {  	v2 =	vld [tilespmem:s23+$0xFFFFFFF0];
	_ =	sdelay $0x4  }
0x73: {  	s26 =	sadd.s32 $0x12000, s25;
	v1 =	vpack.i.f32.bf16 v2, v1  }
0x74: {  	[tilespmem:s26+$0x20] =	vst v1  }
0x75: {  	v1 =	vld [tilespmem:s23+$0x0]  }
0x76: {  	v2 =	vld [tilespmem:s23+$0x10];
	_ =	sdelay $0x4  }
0x77: {  	v1 =	vpack.i.f32.bf16 v2, v1  }
0x78: {  	[tilespmem:s26+$0x40] =	vst v1  }
0x79: {  	v1 =	vld [tilespmem:s23+$0x20]  }
0x7a: {  	s25 =	simm.s32 $0x1;
	v2 =	vld [tilespmem:s23+$0x30]  }
.LBB2_6:
0x7b: {  	_ =	sdelay $0x1  }
0x7c: {  	p0 =	sne.s32 s25, $0x9F;
	s24 =	sadd.s32 $0x80, s24;
	s23 =	sadd.s32 $0x80, s23  }
0x7d: {  	s25 =	sadd.s32 $0x1, s25  }
0x7e: {  	v1 =	vpack.i.f32.bf16 v2, v1  }
0x7f: {  	[tilespmem:s26+$0x60] =	vst v1  }
0x80: {  	v1 =	vld [tilespmem:s23+$0xFFFFFFC0]  }
0x81: {  	v2 =	vld [tilespmem:s23+$0xFFFFFFD0];
	_ =	sdelay $0x3  }
0x82: {  	s26 =	sand.u32 $0x7F00, s24  }
0x83: {  	s26 =	sshrl.u32 s26, $0x1;
	v1 =	vpack.i.f32.bf16 v2, v1  }
0x84: {  	[tilespmem:s26+$0x12000] =	vst v1  }
0x85: {  	v1 =	vld [tilespmem:s23+$0xFFFFFFE0]  }
0x86: {  	v2 =	vld [tilespmem:s23+$0xFFFFFFF0];
	_ =	sdelay $0x3  }
0x87: {  	s26 =	sadd.s32 $0x12000, s26  }
0x88: {  	v1 =	vpack.i.f32.bf16 v2, v1  }
0x89: {  	[tilespmem:s26+$0x20] =	vst v1  }
0x8a: {  	v1 =	vld [tilespmem:s23+$0x0]  }
0x8b: {  	v2 =	vld [tilespmem:s23+$0x10];
	_ =	sdelay $0x3  }
.Ltmp2:
0x8c: {  	(pc) =	sbr.rel @p0 .LBB2_6-.Ltmp2, $4  }
0x8d: {  	v1 =	vpack.i.f32.bf16 v2, v1  }
0x8e: {  	[tilespmem:s26+$0x40] =	vst v1  }
0x8f: {  	v1 =	vld [tilespmem:s23+$0x20]  }
0x90: {  	v2 =	vld [tilespmem:s23+$0x30]  }
0x91: {  	_ =	sdelay $0x2  }
0x92: {  	s22 =	sadd.s32 $0x1, s22  }
0x93: {  	p0 =	sne.s32 s22, s9;
	v1 =	vpack.i.f32.bf16 v2, v1  }
.Ltmp3:
0x94: {  	[tilespmem:s26+$0x60] =	vst v1;
	(pc) =	sbr.rel @p0 .LBB2_1-.Ltmp3, $4  }
0x95: {  	[hbm4b:s8+s3] =	stream.linear.scatter [tilespmem:s21], [sflag:$0x3], $0x2800, $0x38;
	[tilespmem:$0x19800] =	vst v63  }
0x96: {  	_ =	swait.ge [sflag:s11], $0x2800  }
0x97: {  	[sflag:s11] =	ssyncset.done $0x0  }
0x98: {  	[sflag:s11] =	ssyncadd.s32 $0xFFFFD800  }
0x99: {  	_ =	sfence.sel $0x180000  }
0x9a: {  	[bflag:$0x0] =	sbarrier.arrive $0xFFFF  }
0x9b: {  	p0 =	sne.s32 s2, $0x0;
	_ =	strace $0x9000004A  }
0x9c: {  	s0 =	sadd.s32 @!p0 $0x100000, s0;
	[bflag:$0x2] =	sbarrier.arrive $0xFFFF  }
0x9d: {  	[sflag:s0] =	ssyncadd.tile.s32 @!p0 $0x1;
	_ =	shalt  }
.Lfunc_end2:
_tile_overlayer_lowered:
.L_overlay_start_2:
0x9e: {  	(tag) =	ssettag $0x2  }
0x9f: {  	s0 =	rddreg [dreg:$0x0];
	s2 =	stileid.u32  }
0xa0: {  	s1 =	rddreg [dreg:$0x1];
	p0 =	sne.s32 s2, $0x0  }
0xa1: {  	s3 =	rddreg [dreg:$0x2];
	[bflag:$0x3] =	sbarrier.arrive $0xFFFF;
	s2 =	simm.s32 @!p0 $0x1C03  }
0xa2: {  	[timem:s3], [sflag:s2] =	dma.local @!p0 [hbm:s0], s1  }
0xa3: {  	s0 =	simm.s32 @!p0 $0x3  }
0xa4: {  	_ =	swait.ge @!p0 [sflag:s0], s1  }
0xa5: {  	s1 =	ssub.s32 @!p0 $0x0, s1;
	[sflag:s0] =	ssyncset.done @!p0 $0x0  }
0xa6: {  	[sflag:s0] =	ssyncadd.s32 @!p0 s1  }
0xa7: {  	[bflag:$0x3] =	sbarrier.arrive $0xFFFF  }
0xa8: {  	_ =	shalt  }

// kernel: kernel.14.cloned.1.call-start
scs
__scs_entry_jumppad:
0x0: {  	(pc) =	sbr.rel $0x88, $3  }
0x1: {  	(tag) =	ssettag $0x0;
	lr =	simm.s32 $0x1  }
0x2: {  	[smem:$0x3F96] =	sst lr;
	_ =	strace $0xD0000000  }
0x3: {  	_ = 	snop  }
0x4: {  	_ = 	snop  }
0x5: {  	_ = 	snop  }
0x6: {  	_ = 	snop  }
0x7: {  	_ = 	snop  }
__scs_overlays_trampoline_lowered:
0x8: {  	[smem:$0x3FA5] =	sst s0  }
0x9: {  	[smem:$0x3FA6] =	sst s1  }
0xa: {  	[smem:$0x3FA7] =	sst s2  }
0xb: {  	[smem:$0x3FA8] =	sst s3  }
0xc: {  	[smem:$0x3FA9] =	sst s4  }
0xd: {  	[smem:$0x3FAA] =	sst s5  }
0xe: {  	[smem:$0x3FAB] =	sst s6  }
0xf: {  	[smem:$0x3FAC] =	sst s7  }
0x10: {  	[smem:$0x3FAD] =	sst s8  }
0x11: {  	[smem:$0x3FAE] =	sst s9;
	s0 =	simm.s32 @!p0 $0x0  }
0x12: {  	s1 =	sld [smem:$0x3F94];
	s0 =	simm.s32 @p0 $0x1  }
0x13: {  	[smem:$0x3FAF] =	sst s0;
	s0 =	simm.s32 @!p1 $0x0  }
0x14: {  	s2 =	sld [smem:$0x3F93];
	s0 =	simm.s32 @p1 $0x1  }
0x15: {  	[smem:$0x3FB0] =	sst s0;
	s0 =	simm.s32 @!p2 $0x0  }
0x16: {  	s3 =	sld [smem:$0x3FDB];
	s0 =	simm.s32 @p2 $0x1  }
0x17: {  	s4 =	simm.s32 $0x1BF5;
	[smem:$0x3FB2] =	sst s0  }
0x18: {  	s0 =	sld [smem:$0x3F95];
	_ =	swait.ge [sflag:s4], $0x0  }
0x19: {  	s7 =	sld [smem:$0x3F96]  }
0x1a: {  	s8 =	sadd.s32 $0xFFFFE003, lr  }
0x1b: {  	s9 =	sadd.s32 $0xFFFFFEF7, lr;
	s5 =	simm.s32 $0xFFFFFFFF;
	p2 =	slt.u32 s8, $0xFFFFF086  }
0x1c: {  	p1 =	slt.u32 s9, $0xF7A;
	s5 =	simm.s32 @!p2 $0x0  }
0x1d: {  	s5 =	simm.s32 @p1 $0x1;
	p0 =	seq.s32 s7, s2  }
0x1e: {  	s7 =	smul.u32 @!p0 $0xF7A, s2;
	p2 =	seq.s32 @!p0 s5, $0x0  }
0x1f: {  	s9 =	smul.u32 $0xF7A, s1;
	s8 =	simm.s32 @!p0 $0x1BF5;
	p2 =	por !p2, p0  }
0x20: {  	[sflag:s8] =	ssyncset.s32 @!p0 $0xFFFFF086;
	s6 =	sadd.s32 @!p0 s3, s7;
	s7 =	simm.s32 @!p0 $0x108  }
0x21: {  	s3 =	sadd.s32 s3, s9;
	s6 =	sadd.s32 @!p0 $0x88, s6;
	s7 =	simm.s32 @p2 $0x1082  }
0x22: {  	[simem:s7], [sflag:s8] =	dma.local @!p0 [hbm:s6], $0xF7A  }
0x23: {  	s9 =	sor.u32 $0xD0000000, s2;
	s6 =	simm.s32 $0x108;
	_ =	swait.ge @!p0 [sflag:s8], $0x0  }
0x24: {  	s3 =	sadd.s32 $0x88, s3;
	s6 =	simm.s32 @!p1 $0x1082;
	[sflag:s4] =	ssyncset.s32 $0xFFFFF086  }
0x25: {  	[simem:s6], [sflag:s4] =	dma.local [hbm:s3], $0xF7A  }
0x26: {  	[smem:$0x3F96] =	sst s1;
	(tag) =	ssettag s2;
	_ =	strace s9  }
0x27: {  	s1 =	sld [smem:$0x3FA6]  }
0x28: {  	s2 =	sld [smem:$0x3FA7]  }
0x29: {  	s4 =	sld [smem:$0x3FA9]  }
0x2a: {  	p0 =	seq.s32 s5, $0x0;
	s5 =	sld [smem:$0x3FAA]  }
0x2b: {  	s6 =	sld [smem:$0x3FAB]  }
0x2c: {  	s7 =	sld [smem:$0x3FAC]  }
0x2d: {  	s3 =	simm.s32 $0x108;
	s8 =	sld [smem:$0x3FAD]  }
0x2e: {  	s3 =	simm.s32 @!p0 $0x1082;
	s9 =	sld [smem:$0x3FAE]  }
0x2f: {  	lr =	sadd.s32 s0, s3;
	s0 =	sld [smem:$0x3FA5]  }
0x30: {  	s3 =	sld [smem:$0x3FA8]  }
0x31: {  	[smem:$0x3FB1] =	sst s10  }
0x32: {  	s10 =	sld [smem:$0x3FAF];
	_ =	sdelay $0x3  }
0x33: {  	p0 =	seq.s32 s10, $0x1;
	s10 =	sld [smem:$0x3FB1];
	_ =	sdelay $0x3  }
0x34: {  	[smem:$0x3FB1] =	sst s10  }
0x35: {  	s10 =	sld [smem:$0x3FB0];
	_ =	sdelay $0x3  }
0x36: {  	p1 =	seq.s32 s10, $0x1;
	s10 =	sld [smem:$0x3FB1];
	_ =	sdelay $0x3  }
0x37: {  	[smem:$0x3FB1] =	sst s10  }
0x38: {  	s10 =	sld [smem:$0x3FB2]  }
0x39: {  	_ = 	snop;
	(pc) =	sbr.ind lr, $3  }
0x3a: {  	_ = 	snop  }
0x3b: {  	_ = 	snop  }
0x3c: {  	p2 =	seq.s32 s10, $0x1;
	s10 =	sld [smem:$0x3FB1]  }
0x3d: {  	_ =	shalt  }
0x3e: {  	_ =	shalt  }
0x3f: {  	_ =	shalt  }
0x40: {  	_ =	shalt  }
0x41: {  	_ =	shalt  }
0x42: {  	_ =	shalt  }
0x43: {  	_ =	shalt  }
0x44: {  	_ =	shalt  }
0x45: {  	_ =	shalt  }
0x46: {  	_ =	shalt  }
0x47: {  	_ =	shalt  }
0x48: {  	_ =	shalt  }
0x49: {  	_ =	shalt  }
0x4a: {  	_ =	shalt  }
0x4b: {  	_ =	shalt  }
0x4c: {  	_ =	shalt  }
0x4d: {  	_ =	shalt  }
0x4e: {  	_ =	shalt  }
0x4f: {  	_ =	shalt  }
0x50: {  	_ =	shalt  }
0x51: {  	_ =	shalt  }
0x52: {  	_ =	shalt  }
0x53: {  	_ =	shalt  }
0x54: {  	_ =	shalt  }
0x55: {  	_ =	shalt  }
0x56: {  	_ =	shalt  }
0x57: {  	_ =	shalt  }
0x58: {  	_ =	shalt  }
0x59: {  	_ =	shalt  }
0x5a: {  	_ =	shalt  }
0x5b: {  	_ =	shalt  }
0x5c: {  	_ =	shalt  }
0x5d: {  	_ =	shalt  }
0x5e: {  	_ =	shalt  }
0x5f: {  	_ =	shalt  }
0x60: {  	_ =	shalt  }
0x61: {  	_ =	shalt  }
0x62: {  	_ =	shalt  }
0x63: {  	_ =	shalt  }
0x64: {  	_ =	shalt  }
0x65: {  	_ =	shalt  }
0x66: {  	_ =	shalt  }
0x67: {  	_ =	shalt  }
0x68: {  	_ =	shalt  }
0x69: {  	_ =	shalt  }
0x6a: {  	_ =	shalt  }
0x6b: {  	_ =	shalt  }
0x6c: {  	_ =	shalt  }
0x6d: {  	_ =	shalt  }
0x6e: {  	_ =	shalt  }
0x6f: {  	_ =	shalt  }
0x70: {  	_ =	shalt  }
0x71: {  	_ =	shalt  }
0x72: {  	_ =	shalt  }
0x73: {  	_ =	shalt  }
0x74: {  	_ =	shalt  }
0x75: {  	_ =	shalt  }
0x76: {  	_ =	shalt  }
0x77: {  	_ =	shalt  }
0x78: {  	_ =	shalt  }
0x79: {  	_ =	shalt  }
0x7a: {  	_ =	shalt  }
0x7b: {  	_ =	shalt  }
0x7c: {  	_ =	shalt  }
0x7d: {  	_ =	shalt  }
0x7e: {  	_ =	shalt  }
0x7f: {  	_ =	shalt  }
0x80: {  	_ =	shalt  }
0x81: {  	_ =	shalt  }
0x82: {  	_ =	shalt  }
0x83: {  	_ =	shalt  }
0x84: {  	_ =	shalt  }
0x85: {  	_ =	shalt  }
0x86: {  	_ =	shalt  }
0x87: {  	_ =	shalt  }
.Lfunc_end0:
.L_simem_size_0:
called_computation.2_lowered:
.L_overlay_start_0:
0x88: {  	s2 =	sld [smem:$0x3FD9]  }
0x89: {  	s3 =	sld [smem:$0x3FFE];
	_ =	sdelay $0x1  }
0x8a: {  	s1 =	srdreg.scid  }
0x8b: {  	s0 =	sand.u32 $0x1, s1  }
0x8c: {  	s16 =	sshll.u32 s0, $0xA;
	s2 =	sadd.s32 s3, s2  }
0x8d: {  	s2 =	sadd.s32 s2, s16  }
0x8e: {  	[smem:$0x3FBD] =	sst s2  }
0x8f: {  	_ = 	snop  }
0x90: {  	(tm) =	ssettm $0x1  }
0x91: {  	s17 =	sld [smem:$0x3FFB];
	_ =	sdelay $0x3  }
0x92: {  	_ =	strace s17  }
0x93: {  	s2 =	sld [smem:$0x3FFC];
	_ =	sdelay $0x3  }
0x94: {  	_ =	strace s2  }
0x95: {  	s2 =	sld [smem:$0x3FFD];
	_ =	sdelay $0x3  }
0x96: {  	_ =	strace s2  }
0x97: {  	_ =	strace $0x8FFFFFFF  }
0x98: {  	s18 =	sld [smem:$0x3FDB];
	_ =	sdelay $0x1  }
0x99: {  	s19 =	simm.s32 $_scs_section_size  }
0x9a: {  	s4 =	simm.s32 $_size__tile_overlayer_lowered;
	s5 =	simm.s32 $_tile_overlayer_lowered  }
0x9b: {  	s22 =	simm.s32 $0x1BFF;
	s21 =	sshll.u32 s5, $0x1;
	s2 =	sadd.s32 s19, s18  }
0x9c: {  	s6 =	simm.s32 $0x0;
	s20 =	sshll.u32 s4, $0x1;
	s4 =	sadd.s32 s21, s2  }
0x9d: {  	[timem:s6], [sflag:s22] =	dma.local [hbm:s4], s20  }
0x9e: {  	_ =	swait.ge [sflag:s22], s20  }
0x9f: {  	s3 =	ssub.s32 $0x0, s20;
	[sflag:s22] =	ssyncset.done $0x0  }
0xa0: {  	[sflag:s22] =	ssyncadd.s32 s3;
	_ =	sdelay $0x1  }
0xa1: {  	s23 =	simm.s32 $0x1B8B  }
0xa2: {  	_ =	swait.ge [sflag:s23], $0x1  }
0xa3: {  	[sflag:s23] =	ssyncset.done $0x0  }
0xa4: {  	s25 =	simm.s32 $0x1B8E;
	s24 =	sld [smem:$0x3FFE];
	[sflag:s23] =	ssyncadd.s32 $0xFFFFFFFF  }
0xa5: {  	s26 =	simm.s32 $execute0_lowered;
	[smem:$0x3FD2] =	sst s25  }
0xa6: {  	s4 =	sshll.u32 s26, $0x1;
	_ =	strace $0x8000004C;
	[dreg:$0x1] =	wrdreg $0xFFFFFFFF  }
0xa7: {  	s28 =	simm.s32 $_size_execute0_lowered;
	s2 =	sadd.s32 s2, s4;
	[dreg:$0x0] =	wrdreg $0x0  }
0xa8: {  	s4 =	sshll.u32 s28, $0x1;
	[dreg:$0x2] =	wrdreg s2  }
0xa9: {  	[dreg:$0x3] =	wrdreg s4  }
0xaa: {  	[dreg:$0x4] =	wrdreg $0xC0  }
0xab: {  	_ =	task [dreg:s6], $0x5FFFF  }
0xac: {  	[dreg:$0x1] =	wrdreg $0xFFFFFFFF  }
0xad: {  	[dreg:$0x0] =	wrdreg $0x60  }
0xae: {  	[dreg:$0x2] =	wrdreg s24  }
0xaf: {  	[dreg:$0x3] =	wrdreg $0x148000  }
0xb0: {  	[dreg:$0x4] =	wrdreg $0x9  }
0xb1: {  	_ =	task.clear_ibuf [dreg:s6], $0x5FFFF;
	_ =	strace $0x9000004C  }
0xb2: {  	s29 =	simm.s32 $0x9;
	_ =	strace $0x8000004E  }
0xb3: {  	_ =	swait.ge [sflag:s29], $0x1  }
0xb4: {  	[sflag:s29] =	ssyncadd.s32 $0xFFFFFFFF  }
0xb5: {  	_ =	strace $0x9000004E  }
0xb6: {  	_ =	sfence  }
0xb7: {  	s30 =	sld [smem:$0x0];
	_ =	sdelay $0x2  }
0xb8: {  	s31 =	sshll.u32 s1, $0xD;
	s1 =	sshrl.u32 s1, $0x2  }
0xb9: {  	s3 =	sand.u32 $0x4000, s31;
	s1 =	sadd.s32 s1, s30  }
0xba: {  	s0 =	sor.u32 s3, s0;
	s1 =	sshll.u32 s1, $0x11  }
0xbb: {  	s0 =	sor.u32 s1, s0  }
0xbc: {  	s0 =	sadd.s32 $0x8F2B, s0  }
0xbd: {  	[sflag:s0] =	ssyncadd.remote.s32 $0x1  }
0xbe: {  	_ =	sfence.sel $0xFFFF  }
0xbf: {  	[dreg:$0x0] =	wrdreg $0xFFFFFFFF;
	(pc) =	sbr.abs _section_cstart, $3  }
0xc0: {  	[dreg:$0x1] =	wrdreg $0xFFFFFFFF  }
0xc1: {  	_ =	task.clear_ibuf [dreg:s6], $0x2FFFF;
	_ =	strace $0x9FFFFFFF  }
0xc2: {  	(tm) =	ssettm $0x7FFFFFFF  }
0xc3: {  	_ =	shalt  }
tec
execute0_lowered:
.L_overlay_start_1:
0x0: {  	(tag) =	ssettag $0x1  }
0x1: {  	s5 =	rddreg [dreg:$0x0]  }
0x2: {  	s1 =	rddreg [dreg:$0x1];
	s2 =	srdreg.scid  }
0x3: {  	s0 =	rddreg [dreg:$0x2];
	s3 =	simm.s32 $0x0;
	s12 =	simm.s32 $0x2800  }
0x4: {  	s13 =	simm.s32 $0x80;
	s14 =	simm.s32 $0x5000;
	s15 =	simm.s32 $0x1  }
0x5: {  	s16 =	simm.s32 $0x9000;
	s17 =	simm.s32 $0x2;
	s18 =	simm.s32 $0x2780  }
0x6: {  	s19 =	simm.s32 $0x4F00;
	s20 =	simm.s32 $0x4F80;
	s21 =	simm.s32 $0x12000  }
0x7: {  	s22 =	simm.s32 $0x0;
	s6 =	sand.u32 $0x1, s2;
	s2 =	stileid.u32  }
0x8: {  	[smem:$0x7FF] =	sst s3;
	s4 =	sshll.u32 s6, $0x4;
	s7 =	smul.u32 $0x50000, s6  }
0x9: {  	s9 =	smul.u32 $0x5000, s2;
	_ =	strace $0x8000004D;
	s6 =	ssub.s32 $0x2, s6  }
0xa: {  	s30 =	smul.u32 $0x14000, s2;
	s8 =	sor.u32 s2, s4;
	s4 =	sadd.s32 $0x52800, s5  }
0xb: {  	s10 =	sshrl.u32 s6, $0x1;
	s8 =	smul.u32 $0x500, s8;
	s7 =	sadd.s32 s9, s7  }
0xc: {  	s10 =	ssub.s32 s6, s10;
	s31 =	sshrl.u32 s30, $0x2;
	s7 =	sshrl.u32 s7, $0x4  }
0xd: {  	s9 =	smax.u32 s10, $0x1;
	s10 =	simm.s32 $0xD000;
	s8 =	sadd.s32 s8, s5  }
0xe: {  	s11 =	sadd.s32 s7, s5;
	s5 =	sadd.s32 s31, s1;
	s6 =	sadd.s32 $0x20800, s8  }
0xf: {  	v0 =	vimm.f32 $0.0e+00;
	s7 =	sadd.s32 $0x16800, s8;
	s8 =	sadd.s32 $0x2800, s11;
	s11 =	simm.s32 $0x3  }
.LBB2_1:
0x10: {  	s23 =	simm.s32 $0x0;
	s24 =	simm.s32 $0x200  }
.LBB2_2:
0x11: {  	p0 =	sne.s32 s24, $0x13E00;
	[tilespmem:s23+$0xD070] =	vst v0  }
0x12: {  	[tilespmem:s23+$0xD000] =	vst v0  }
0x13: {  	[tilespmem:s23+$0xD010] =	vst v0  }
.Ltmp0:
0x14: {  	[tilespmem:s23+$0xD020] =	vst v0;
	(pc) =	sbr.rel @p0 .LBB2_2-.Ltmp0, $4  }
0x15: {  	[tilespmem:s23+$0xD030] =	vst v0  }
0x16: {  	[tilespmem:s23+$0xD040] =	vst v0  }
0x17: {  	[tilespmem:s23+$0xD050] =	vst v0  }
0x18: {  	[tilespmem:s23+$0xD060] =	vst v0;
	s23 =	sshra.s32 s24, $0x2;
	s24 =	sadd.s32 $0x200, s24  }
0x19: {  	[tilespmem:s23+$0xD070] =	vst v0  }
0x1a: {  	[tilespmem:s23+$0xD000] =	vst v0  }
0x1b: {  	[tilespmem:s23+$0xD010] =	vst v0  }
0x1c: {  	[tilespmem:s23+$0xD020] =	vst v0  }
0x1d: {  	[tilespmem:s23+$0xD030] =	vst v0  }
0x1e: {  	[tilespmem:s23+$0xD040] =	vst v0  }
0x1f: {  	[tilespmem:s23+$0xD050] =	vst v0  }
0x20: {  	[tilespmem:s23+$0xD060] =	vst v0  }
0x21: {  	[spmem:s5] =	stream.linear.scatter [tilespmem:s10], [sflag:$0x3], $0x5000, $0x38;
	[tilespmem:$0x19800] =	vst v63  }
0x22: {  	_ =	swait.ge [sflag:s11], $0x5000  }
0x23: {  	[sflag:s11] =	ssyncset.done $0x0  }
0x24: {  	s26 =	simm.s32 $0x0;
	[sflag:s11] =	ssyncadd.s32 $0xFFFFB000  }
0x25: {  	[tilespmem:s26], [sflag:$0x3] =	stream.linear.gather [hbm4b:s6+s26], $0x2800, $0x38;
	[tilespmem:$0x19800] =	vst v63  }
0x26: {  	_ =	swait.ge [sflag:s11], $0x2800  }
0x27: {  	[sflag:s11] =	ssyncset.done $0x0  }
0x28: {  	[sflag:s11] =	ssyncadd.s32 $0xFFFFD800  }
0x29: {  	[tilespmem:s12], [sflag:$0x3] =	stream.linear.gather [hbm4b:s7+s26], $0x2800, $0x38;
	[tilespmem:$0x19800] =	vst v63  }
0x2a: {  	_ =	swait.ge [sflag:s11], $0x2800  }
0x2b: {  	[sflag:s11] =	ssyncset.done $0x0  }
0x2c: {  	[sflag:s11] =	ssyncadd.s32 $0xFFFFD800  }
0x2d: {  	[bflag:$0x0] =	sbarrier.arrive $0xFFFF  }
0x2e: {  	[tilespmem:s14], [sflag:$0x1] =	stream.indirect.gather [hbm4b:s4+s13], $0x80, s26, s13, $0xb8;
	[tilespmem:$0x19800] =	vst v63  }
0x2f: {  	_ =	swait.ge [sflag:s15], $0x4000  }
0x30: {  	[sflag:s15] =	ssyncset.done $0x0  }
0x31: {  	s28 =	simm.s32 $0x80;
	[sflag:s15] =	ssyncadd.s32 $0xFFFFC000  }
0x32: {  	[tilespmem:s16], [sflag:$0x2] =	stream.indirect.gather [hbm4b:s4+s13], $0x80, s28, s13, $0xb8;
	[tilespmem:$0x19800] =	vst v63  }
0x33: {  	s29 =	simm.s32 $0x2800  }
0x34: {  	[spmem:s1] =	stream.indirect.scatter.add.f32 [tilespmem:s14], [sflag:$0x3], $0x80, s29, s13, $0xb8;
	[tilespmem:$0x19800] =	vst v63  }
0x35: {  	_ =	swait.ge [sflag:s11], $0x4000  }
0x36: {  	[sflag:s11] =	ssyncset.done $0x0  }
0x37: {  	[sflag:s11] =	ssyncadd.s32 $0xFFFFC000  }
0x38: {  	_ =	swait.ge [sflag:s17], $0x4000  }
0x39: {  	[sflag:s17] =	ssyncset.done $0x0  }
0x3a: {  	s30 =	simm.s32 $0x100;
	[sflag:s17] =	ssyncadd.s32 $0xFFFFC000  }
0x3b: {  	[tilespmem:s14], [sflag:$0x1] =	stream.indirect.gather [hbm4b:s4+s13], $0x80, s30, s13, $0xb8;
	[tilespmem:$0x19800] =	vst v63  }
0x3c: {  	s31 =	simm.s32 $0x2880  }
0x3d: {  	[spmem:s1] =	stream.indirect.scatter.add.f32 [tilespmem:s16], [sflag:$0x3], $0x80, s31, s13, $0xb8;
	[tilespmem:$0x19800] =	vst v63  }
0x3e: {  	_ =	swait.ge [sflag:s11], $0x4000  }
0x3f: {  	s23 =	simm.s32 $0x400;
	[sflag:s11] =	ssyncset.done $0x0  }
.LBB2_4:
0x40: {  	p0 =	sne.s32 s23, $0x9800  }
0x41: {  	[sflag:s11] =	ssyncadd.s32 $0xFFFFC000;
	s24 =	smov.u32 s23;
	s23 =	sadd.s32 $0x400, s23  }
0x42: {  	_ = 	snop  }
0x43: {  	_ =	swait.ge [sflag:s15], $0x4000  }
0x44: {  	s24 =	sshra.s32 s24, $0x2;
	[sflag:s15] =	ssyncset.done $0x0  }
0x45: {  	s25 =	sadd.s32 $0x80, s24;
	[sflag:s15] =	ssyncadd.s32 $0xFFFFC000  }
0x46: {  	[tilespmem:s16], [sflag:$0x2] =	stream.indirect.gather [hbm4b:s4+s13], $0x80, s25, s13, $0xb8;
	[tilespmem:$0x19800] =	vst v63  }
0x47: {  	s25 =	sadd.s32 $0x2800, s24  }
0x48: {  	[spmem:s1] =	stream.indirect.scatter.add.f32 [tilespmem:s14], [sflag:$0x3], $0x80, s25, s13, $0xb8;
	[tilespmem:$0x19800] =	vst v63  }
0x49: {  	_ =	swait.ge [sflag:s11], $0x4000  }
0x4a: {  	[sflag:s11] =	ssyncset.done $0x0  }
0x4b: {  	[sflag:s11] =	ssyncadd.s32 $0xFFFFC000  }
0x4c: {  	_ =	swait.ge [sflag:s17], $0x4000  }
0x4d: {  	[sflag:s17] =	ssyncset.done $0x0  }
0x4e: {  	s25 =	sadd.s32 $0x100, s24;
	[sflag:s17] =	ssyncadd.s32 $0xFFFFC000  }
0x4f: {  	[tilespmem:s14], [sflag:$0x1] =	stream.indirect.gather [hbm4b:s4+s13], $0x80, s25, s13, $0xb8;
	[tilespmem:$0x19800] =	vst v63  }
.Ltmp1:
0x50: {  	_ = 	snop;
	(pc) =	sbr.rel @p0 .LBB2_4-.Ltmp1, $4  }
0x51: {  	s24 =	sadd.s32 $0x2880, s24  }
0x52: {  	[spmem:s1] =	stream.indirect.scatter.add.f32 [tilespmem:s16], [sflag:$0x3], $0x80, s24, s13, $0xb8;
	[tilespmem:$0x19800] =	vst v63  }
0x53: {  	_ =	swait.ge [sflag:s11], $0x4000  }
0x54: {  	[sflag:s11] =	ssyncset.done $0x0  }
0x55: {  	[sflag:s11] =	ssyncadd.s32 $0xFFFFC000  }
0x56: {  	_ =	swait.ge [sflag:s15], $0x4000  }
0x57: {  	[sflag:s15] =	ssyncset.done $0x0  }
0x58: {  	[sflag:s15] =	ssyncadd.s32 $0xFFFFC000  }
0x59: {  	[tilespmem:s16], [sflag:$0x2] =	stream.indirect.gather [hbm4b:s4+s13], $0x80, s18, s13, $0xb8;
	[tilespmem:$0x19800] =	vst v63  }
0x5a: {  	_ = 	snop  }
0x5b: {  	[spmem:s1] =	stream.indirect.scatter.add.f32 [tilespmem:s14], [sflag:$0x3], $0x80, s19, s13, $0xb8;
	[tilespmem:$0x19800] =	vst v63  }
0x5c: {  	_ =	swait.ge [sflag:s11], $0x4000  }
0x5d: {  	[sflag:s11] =	ssyncset.done $0x0  }
0x5e: {  	[sflag:s11] =	ssyncadd.s32 $0xFFFFC000  }
0x5f: {  	_ =	swait.ge [sflag:s17], $0x4000  }
0x60: {  	[sflag:s17] =	ssyncset.done $0x0  }
0x61: {  	[sflag:s17] =	ssyncadd.s32 $0xFFFFC000  }
0x62: {  	[spmem:s1] =	stream.indirect.scatter.add.f32 [tilespmem:s16], [sflag:$0x3], $0x80, s20, s13, $0xb8;
	[tilespmem:$0x19800] =	vst v63  }
0x63: {  	_ =	swait.ge [sflag:s11], $0x4000  }
0x64: {  	[sflag:s11] =	ssyncset.done $0x0  }
0x65: {  	[sflag:s11] =	ssyncadd.s32 $0xFFFFC000  }
0x66: {  	[bflag:$0x0] =	sbarrier.arrive $0xFFFF  }
0x67: {  	[tilespmem:s10], [sflag:$0x3] =	stream.linear.gather [spmem:s5], $0x5000, $0x38;
	[tilespmem:$0x19800] =	vst v63  }
0x68: {  	_ =	swait.ge [sflag:s11], $0x5000  }
0x69: {  	[sflag:s11] =	ssyncset.done $0x0  }
0x6a: {  	s23 =	simm.s32 $0xD040;
	[sflag:s11] =	ssyncadd.s32 $0xFFFFB000  }
0x6b: {  	v1 =	vld [tilespmem:s23+$0xFFFFFFC0]  }
0x6c: {  	v2 =	vld [tilespmem:s23+$0xFFFFFFD0];
	_ =	sdelay $0x2  }
0x6d: {  	s24 =	simm.s32 $0x0  }
0x6e: {  	s25 =	sand.u32 $0x7F00, s24  }
0x6f: {  	s25 =	sshrl.u32 s25, $0x1;
	v1 =	vpack.i.f32.bf16 v2, v1  }
0x70: {  	[tilespmem:s25+$0x12000] =	vst v1  }
0x71: {  	v1 =	vld [tilespmem:s23+$0xFFFFFFE0]  }
0x72: {  	v2 =	vld [tilespmem:s23+$0xFFFFFFF0];
	_ =	sdelay $0x4  }
0x73: {  	s26 =	sadd.s32 $0x12000, s25;
	v1 =	vpack.i.f32.bf16 v2, v1  }
0x74: {  	[tilespmem:s26+$0x20] =	vst v1  }
0x75: {  	v1 =	vld [tilespmem:s23+$0x0]  }
0x76: {  	v2 =	vld [tilespmem:s23+$0x10];
	_ =	sdelay $0x4  }
0x77: {  	v1 =	vpack.i.f32.bf16 v2, v1  }
0x78: {  	[tilespmem:s26+$0x40] =	vst v1  }
0x79: {  	v1 =	vld [tilespmem:s23+$0x20]  }
0x7a: {  	s25 =	simm.s32 $0x1;
	v2 =	vld [tilespmem:s23+$0x30]  }
.LBB2_6:
0x7b: {  	_ =	sdelay $0x1  }
0x7c: {  	p0 =	sne.s32 s25, $0x9F;
	s24 =	sadd.s32 $0x80, s24;
	s23 =	sadd.s32 $0x80, s23  }
0x7d: {  	s25 =	sadd.s32 $0x1, s25  }
0x7e: {  	v1 =	vpack.i.f32.bf16 v2, v1  }
0x7f: {  	[tilespmem:s26+$0x60] =	vst v1  }
0x80: {  	v1 =	vld [tilespmem:s23+$0xFFFFFFC0]  }
0x81: {  	v2 =	vld [tilespmem:s23+$0xFFFFFFD0];
	_ =	sdelay $0x3  }
0x82: {  	s26 =	sand.u32 $0x7F00, s24  }
0x83: {  	s26 =	sshrl.u32 s26, $0x1;
	v1 =	vpack.i.f32.bf16 v2, v1  }
0x84: {  	[tilespmem:s26+$0x12000] =	vst v1  }
0x85: {  	v1 =	vld [tilespmem:s23+$0xFFFFFFE0]  }
0x86: {  	v2 =	vld [tilespmem:s23+$0xFFFFFFF0];
	_ =	sdelay $0x3  }
0x87: {  	s26 =	sadd.s32 $0x12000, s26  }
0x88: {  	v1 =	vpack.i.f32.bf16 v2, v1  }
0x89: {  	[tilespmem:s26+$0x20] =	vst v1  }
0x8a: {  	v1 =	vld [tilespmem:s23+$0x0]  }
0x8b: {  	v2 =	vld [tilespmem:s23+$0x10];
	_ =	sdelay $0x3  }
.Ltmp2:
0x8c: {  	(pc) =	sbr.rel @p0 .LBB2_6-.Ltmp2, $4  }
0x8d: {  	v1 =	vpack.i.f32.bf16 v2, v1  }
0x8e: {  	[tilespmem:s26+$0x40] =	vst v1  }
0x8f: {  	v1 =	vld [tilespmem:s23+$0x20]  }
0x90: {  	v2 =	vld [tilespmem:s23+$0x30]  }
0x91: {  	_ =	sdelay $0x2  }
0x92: {  	s22 =	sadd.s32 $0x1, s22  }
0x93: {  	p0 =	sne.s32 s22, s9;
	v1 =	vpack.i.f32.bf16 v2, v1  }
.Ltmp3:
0x94: {  	[tilespmem:s26+$0x60] =	vst v1;
	(pc) =	sbr.rel @p0 .LBB2_1-.Ltmp3, $4  }
0x95: {  	[hbm4b:s8+s3] =	stream.linear.scatter [tilespmem:s21], [sflag:$0x3], $0x2800, $0x38;
	[tilespmem:$0x19800] =	vst v63  }
0x96: {  	_ =	swait.ge [sflag:s11], $0x2800  }
0x97: {  	[sflag:s11] =	ssyncset.done $0x0  }
0x98: {  	[sflag:s11] =	ssyncadd.s32 $0xFFFFD800  }
0x99: {  	_ =	sfence.sel $0x180000  }
0x9a: {  	[bflag:$0x0] =	sbarrier.arrive $0xFFFF  }
0x9b: {  	p0 =	sne.s32 s2, $0x0;
	_ =	strace $0x9000004D  }
0x9c: {  	s0 =	sadd.s32 @!p0 $0x100000, s0;
	[bflag:$0x2] =	sbarrier.arrive $0xFFFF  }
0x9d: {  	[sflag:s0] =	ssyncadd.tile.s32 @!p0 $0x1;
	_ =	shalt  }
.Lfunc_end2:
_tile_overlayer_lowered:
.L_overlay_start_2:
0x9e: {  	(tag) =	ssettag $0x2  }
0x9f: {  	s0 =	rddreg [dreg:$0x0];
	s2 =	stileid.u32  }
0xa0: {  	s1 =	rddreg [dreg:$0x1];
	p0 =	sne.s32 s2, $0x0  }
0xa1: {  	s3 =	rddreg [dreg:$0x2];
	[bflag:$0x3] =	sbarrier.arrive $0xFFFF;
	s2 =	simm.s32 @!p0 $0x1C03  }
0xa2: {  	[timem:s3], [sflag:s2] =	dma.local @!p0 [hbm:s0], s1  }
0xa3: {  	s0 =	simm.s32 @!p0 $0x3  }
0xa4: {  	_ =	swait.ge @!p0 [sflag:s0], s1  }
0xa5: {  	s1 =	ssub.s32 @!p0 $0x0, s1;
	[sflag:s0] =	ssyncset.done @!p0 $0x0  }
0xa6: {  	[sflag:s0] =	ssyncadd.s32 @!p0 s1  }
0xa7: {  	[bflag:$0x3] =	sbarrier.arrive $0xFFFF  }
0xa8: {  	_ =	shalt  }

// kernel: kernel.8.cloned.1.call-start
scs
__scs_entry_jumppad:
0x0: {  	(pc) =	sbr.rel $0x88, $3  }
0x1: {  	(tag) =	ssettag $0x0;
	lr =	simm.s32 $0x1  }
0x2: {  	[smem:$0x3F96] =	sst lr;
	_ =	strace $0xD0000000  }
0x3: {  	_ = 	snop  }
0x4: {  	_ = 	snop  }
0x5: {  	_ = 	snop  }
0x6: {  	_ = 	snop  }
0x7: {  	_ = 	snop  }
__scs_overlays_trampoline_lowered:
0x8: {  	[smem:$0x3FA5] =	sst s0  }
0x9: {  	[smem:$0x3FA6] =	sst s1  }
0xa: {  	[smem:$0x3FA7] =	sst s2  }
0xb: {  	[smem:$0x3FA8] =	sst s3  }
0xc: {  	[smem:$0x3FA9] =	sst s4  }
0xd: {  	[smem:$0x3FAA] =	sst s5  }
0xe: {  	[smem:$0x3FAB] =	sst s6  }
0xf: {  	[smem:$0x3FAC] =	sst s7  }
0x10: {  	[smem:$0x3FAD] =	sst s8  }
0x11: {  	[smem:$0x3FAE] =	sst s9;
	s0 =	simm.s32 @!p0 $0x0  }
0x12: {  	s1 =	sld [smem:$0x3F94];
	s0 =	simm.s32 @p0 $0x1  }
0x13: {  	[smem:$0x3FAF] =	sst s0;
	s0 =	simm.s32 @!p1 $0x0  }
0x14: {  	s2 =	sld [smem:$0x3F93];
	s0 =	simm.s32 @p1 $0x1  }
0x15: {  	[smem:$0x3FB0] =	sst s0;
	s0 =	simm.s32 @!p2 $0x0  }
0x16: {  	s3 =	sld [smem:$0x3FDB];
	s0 =	simm.s32 @p2 $0x1  }
0x17: {  	s4 =	simm.s32 $0x1BF5;
	[smem:$0x3FB2] =	sst s0  }
0x18: {  	s0 =	sld [smem:$0x3F95];
	_ =	swait.ge [sflag:s4], $0x0  }
0x19: {  	s7 =	sld [smem:$0x3F96]  }
0x1a: {  	s8 =	sadd.s32 $0xFFFFE003, lr  }
0x1b: {  	s9 =	sadd.s32 $0xFFFFFEF7, lr;
	s5 =	simm.s32 $0xFFFFFFFF;
	p2 =	slt.u32 s8, $0xFFFFF086  }
0x1c: {  	p1 =	slt.u32 s9, $0xF7A;
	s5 =	simm.s32 @!p2 $0x0  }
0x1d: {  	s5 =	simm.s32 @p1 $0x1;
	p0 =	seq.s32 s7, s2  }
0x1e: {  	s7 =	smul.u32 @!p0 $0xF7A, s2;
	p2 =	seq.s32 @!p0 s5, $0x0  }
0x1f: {  	s9 =	smul.u32 $0xF7A, s1;
	s8 =	simm.s32 @!p0 $0x1BF5;
	p2 =	por !p2, p0  }
0x20: {  	[sflag:s8] =	ssyncset.s32 @!p0 $0xFFFFF086;
	s6 =	sadd.s32 @!p0 s3, s7;
	s7 =	simm.s32 @!p0 $0x108  }
0x21: {  	s3 =	sadd.s32 s3, s9;
	s6 =	sadd.s32 @!p0 $0x88, s6;
	s7 =	simm.s32 @p2 $0x1082  }
0x22: {  	[simem:s7], [sflag:s8] =	dma.local @!p0 [hbm:s6], $0xF7A  }
0x23: {  	s9 =	sor.u32 $0xD0000000, s2;
	s6 =	simm.s32 $0x108;
	_ =	swait.ge @!p0 [sflag:s8], $0x0  }
0x24: {  	s3 =	sadd.s32 $0x88, s3;
	s6 =	simm.s32 @!p1 $0x1082;
	[sflag:s4] =	ssyncset.s32 $0xFFFFF086  }
0x25: {  	[simem:s6], [sflag:s4] =	dma.local [hbm:s3], $0xF7A  }
0x26: {  	[smem:$0x3F96] =	sst s1;
	(tag) =	ssettag s2;
	_ =	strace s9  }
0x27: {  	s1 =	sld [smem:$0x3FA6]  }
0x28: {  	s2 =	sld [smem:$0x3FA7]  }
0x29: {  	s4 =	sld [smem:$0x3FA9]  }
0x2a: {  	p0 =	seq.s32 s5, $0x0;
	s5 =	sld [smem:$0x3FAA]  }
0x2b: {  	s6 =	sld [smem:$0x3FAB]  }
0x2c: {  	s7 =	sld [smem:$0x3FAC]  }
0x2d: {  	s3 =	simm.s32 $0x108;
	s8 =	sld [smem:$0x3FAD]  }
0x2e: {  	s3 =	simm.s32 @!p0 $0x1082;
	s9 =	sld [smem:$0x3FAE]  }
0x2f: {  	lr =	sadd.s32 s0, s3;
	s0 =	sld [smem:$0x3FA5]  }
0x30: {  	s3 =	sld [smem:$0x3FA8]  }
0x31: {  	[smem:$0x3FB1] =	sst s10  }
0x32: {  	s10 =	sld [smem:$0x3FAF];
	_ =	sdelay $0x3  }
0x33: {  	p0 =	seq.s32 s10, $0x1;
	s10 =	sld [smem:$0x3FB1];
	_ =	sdelay $0x3  }
0x34: {  	[smem:$0x3FB1] =	sst s10  }
0x35: {  	s10 =	sld [smem:$0x3FB0];
	_ =	sdelay $0x3  }
0x36: {  	p1 =	seq.s32 s10, $0x1;
	s10 =	sld [smem:$0x3FB1];
	_ =	sdelay $0x3  }
0x37: {  	[smem:$0x3FB1] =	sst s10  }
0x38: {  	s10 =	sld [smem:$0x3FB2]  }
0x39: {  	_ = 	snop;
	(pc) =	sbr.ind lr, $3  }
0x3a: {  	_ = 	snop  }
0x3b: {  	_ = 	snop  }
0x3c: {  	p2 =	seq.s32 s10, $0x1;
	s10 =	sld [smem:$0x3FB1]  }
0x3d: {  	_ =	shalt  }
0x3e: {  	_ =	shalt  }
0x3f: {  	_ =	shalt  }
0x40: {  	_ =	shalt  }
0x41: {  	_ =	shalt  }
0x42: {  	_ =	shalt  }
0x43: {  	_ =	shalt  }
0x44: {  	_ =	shalt  }
0x45: {  	_ =	shalt  }
0x46: {  	_ =	shalt  }
0x47: {  	_ =	shalt  }
0x48: {  	_ =	shalt  }
0x49: {  	_ =	shalt  }
0x4a: {  	_ =	shalt  }
0x4b: {  	_ =	shalt  }
0x4c: {  	_ =	shalt  }
0x4d: {  	_ =	shalt  }
0x4e: {  	_ =	shalt  }
0x4f: {  	_ =	shalt  }
0x50: {  	_ =	shalt  }
0x51: {  	_ =	shalt  }
0x52: {  	_ =	shalt  }
0x53: {  	_ =	shalt  }
0x54: {  	_ =	shalt  }
0x55: {  	_ =	shalt  }
0x56: {  	_ =	shalt  }
0x57: {  	_ =	shalt  }
0x58: {  	_ =	shalt  }
0x59: {  	_ =	shalt  }
0x5a: {  	_ =	shalt  }
0x5b: {  	_ =	shalt  }
0x5c: {  	_ =	shalt  }
0x5d: {  	_ =	shalt  }
0x5e: {  	_ =	shalt  }
0x5f: {  	_ =	shalt  }
0x60: {  	_ =	shalt  }
0x61: {  	_ =	shalt  }
0x62: {  	_ =	shalt  }
0x63: {  	_ =	shalt  }
0x64: {  	_ =	shalt  }
0x65: {  	_ =	shalt  }
0x66: {  	_ =	shalt  }
0x67: {  	_ =	shalt  }
0x68: {  	_ =	shalt  }
0x69: {  	_ =	shalt  }
0x6a: {  	_ =	shalt  }
0x6b: {  	_ =	shalt  }
0x6c: {  	_ =	shalt  }
0x6d: {  	_ =	shalt  }
0x6e: {  	_ =	shalt  }
0x6f: {  	_ =	shalt  }
0x70: {  	_ =	shalt  }
0x71: {  	_ =	shalt  }
0x72: {  	_ =	shalt  }
0x73: {  	_ =	shalt  }
0x74: {  	_ =	shalt  }
0x75: {  	_ =	shalt  }
0x76: {  	_ =	shalt  }
0x77: {  	_ =	shalt  }
0x78: {  	_ =	shalt  }
0x79: {  	_ =	shalt  }
0x7a: {  	_ =	shalt  }
0x7b: {  	_ =	shalt  }
0x7c: {  	_ =	shalt  }
0x7d: {  	_ =	shalt  }
0x7e: {  	_ =	shalt  }
0x7f: {  	_ =	shalt  }
0x80: {  	_ =	shalt  }
0x81: {  	_ =	shalt  }
0x82: {  	_ =	shalt  }
0x83: {  	_ =	shalt  }
0x84: {  	_ =	shalt  }
0x85: {  	_ =	shalt  }
0x86: {  	_ =	shalt  }
0x87: {  	_ =	shalt  }
.Lfunc_end0:
.L_simem_size_0:
called_computation_lowered:
.L_overlay_start_0:
0x88: {  	s2 =	sld [smem:$0x3FD9]  }
0x89: {  	s3 =	sld [smem:$0x3FFE];
	_ =	sdelay $0x1  }
0x8a: {  	s1 =	srdreg.scid  }
0x8b: {  	s0 =	sand.u32 $0x1, s1  }
0x8c: {  	s16 =	sshll.u32 s0, $0xA;
	s2 =	sadd.s32 s3, s2  }
0x8d: {  	s2 =	sadd.s32 s2, s16  }
0x8e: {  	[smem:$0x3FBD] =	sst s2  }
0x8f: {  	_ = 	snop  }
0x90: {  	(tm) =	ssettm $0x1  }
0x91: {  	s17 =	sld [smem:$0x3FFB];
	_ =	sdelay $0x3  }
0x92: {  	_ =	strace s17  }
0x93: {  	s2 =	sld [smem:$0x3FFC];
	_ =	sdelay $0x3  }
0x94: {  	_ =	strace s2  }
0x95: {  	s2 =	sld [smem:$0x3FFD];
	_ =	sdelay $0x3  }
0x96: {  	_ =	strace s2  }
0x97: {  	_ =	strace $0x8FFFFFFF  }
0x98: {  	s18 =	sld [smem:$0x3FDB];
	_ =	sdelay $0x1  }
0x99: {  	s19 =	simm.s32 $_scs_section_size  }
0x9a: {  	s4 =	simm.s32 $_size__tile_overlayer_lowered;
	s5 =	simm.s32 $_tile_overlayer_lowered  }
0x9b: {  	s22 =	simm.s32 $0x1BFF;
	s21 =	sshll.u32 s5, $0x1;
	s2 =	sadd.s32 s19, s18  }
0x9c: {  	s6 =	simm.s32 $0x0;
	s20 =	sshll.u32 s4, $0x1;
	s4 =	sadd.s32 s21, s2  }
0x9d: {  	[timem:s6], [sflag:s22] =	dma.local [hbm:s4], s20  }
0x9e: {  	_ =	swait.ge [sflag:s22], s20  }
0x9f: {  	s3 =	ssub.s32 $0x0, s20;
	[sflag:s22] =	ssyncset.done $0x0  }
0xa0: {  	[sflag:s22] =	ssyncadd.s32 s3;
	_ =	sdelay $0x1  }
0xa1: {  	s23 =	simm.s32 $0x1B8B  }
0xa2: {  	_ =	swait.ge [sflag:s23], $0x1  }
0xa3: {  	[sflag:s23] =	ssyncset.done $0x0  }
0xa4: {  	s25 =	simm.s32 $0x1B8E;
	s24 =	sld [smem:$0x3FFE];
	[sflag:s23] =	ssyncadd.s32 $0xFFFFFFFF  }
0xa5: {  	s26 =	simm.s32 $execute0_lowered;
	[smem:$0x3FD2] =	sst s25  }
0xa6: {  	s4 =	sshll.u32 s26, $0x1;
	_ =	strace $0x80000046;
	[dreg:$0x1] =	wrdreg $0xFFFFFFFF  }
0xa7: {  	s28 =	simm.s32 $_size_execute0_lowered;
	s2 =	sadd.s32 s2, s4;
	[dreg:$0x0] =	wrdreg $0x0  }
0xa8: {  	s4 =	sshll.u32 s28, $0x1;
	[dreg:$0x2] =	wrdreg s2  }
0xa9: {  	[dreg:$0x3] =	wrdreg s4  }
0xaa: {  	[dreg:$0x4] =	wrdreg $0xC0  }
0xab: {  	_ =	task [dreg:s6], $0x5FFFF  }
0xac: {  	[dreg:$0x1] =	wrdreg $0xFFFFFFFF  }
0xad: {  	[dreg:$0x0] =	wrdreg $0x60  }
0xae: {  	[dreg:$0x2] =	wrdreg s24  }
0xaf: {  	[dreg:$0x3] =	wrdreg $0x9  }
0xb0: {  	_ =	task.clear_ibuf [dreg:s6], $0x4FFFF;
	_ =	strace $0x90000046  }
0xb1: {  	s29 =	simm.s32 $0x9;
	_ =	strace $0x80000048  }
0xb2: {  	_ =	swait.ge [sflag:s29], $0x1  }
0xb3: {  	[sflag:s29] =	ssyncadd.s32 $0xFFFFFFFF  }
0xb4: {  	_ =	strace $0x90000048  }
0xb5: {  	_ =	sfence  }
0xb6: {  	s30 =	sld [smem:$0x0];
	_ =	sdelay $0x2  }
0xb7: {  	s31 =	sshll.u32 s1, $0xD;
	s1 =	sshrl.u32 s1, $0x2  }
0xb8: {  	s3 =	sand.u32 $0x4000, s31;
	s1 =	sadd.s32 s1, s30  }
0xb9: {  	s0 =	sor.u32 s3, s0;
	s1 =	sshll.u32 s1, $0x11  }
0xba: {  	s0 =	sor.u32 s1, s0  }
0xbb: {  	s0 =	sadd.s32 $0x8F2B, s0  }
0xbc: {  	[sflag:s0] =	ssyncadd.remote.s32 $0x1  }
0xbd: {  	_ =	sfence.sel $0xFFFF  }
0xbe: {  	[dreg:$0x0] =	wrdreg $0xFFFFFFFF;
	(pc) =	sbr.abs _section_cstart, $3  }
0xbf: {  	[dreg:$0x1] =	wrdreg $0xFFFFFFFF  }
0xc0: {  	_ =	task.clear_ibuf [dreg:s6], $0x2FFFF;
	_ =	strace $0x9FFFFFFF  }
0xc1: {  	(tm) =	ssettm $0x7FFFFFFF  }
tec
execute0_lowered:
.L_overlay_start_1:
0x0: {  	(tag) =	ssettag $0x1  }
0x1: {  	s0 =	srdreg.scid  }
0x2: {  	s5 =	rddreg [dreg:$0x0];
	s3 =	sand.u32 $0x1, s0  }
0x3: {  	s2 =	simm.s32 $0x0;
	s0 =	stileid.u32;
	s1 =	sshll.u32 s3, $0x4  }
0x4: {  	s8 =	simm.s32 $0x80;
	s9 =	simm.s32 $0x400;
	s4 =	sor.u32 s0, s1  }
0x5: {  	s10 =	simm.s32 $0x0;
	[smem:$0x7FF] =	sst s2;
	s1 =	sshrl.u32 s4, $0x3  }
0x6: {  	s7 =	sshll.u32 s0, $0x7;
	s3 =	ssub.s32 $0x2, s3;
	s6 =	smul.u32 $0x14000, s1  }
0x7: {  	s7 =	sand.u32 $0x380, s7;
	s31 =	sshrl.u32 s3, $0x1;
	s4 =	smul.u32 $0x500, s4  }
0x8: {  	s1 =	rddreg [dreg:$0x1];
	_ =	strace $0x80000047;
	s6 =	sor.u32 s7, s6  }
0x9: {  	s4 =	sadd.s32 s4, s5;
	s7 =	simm.s32 $0x2800;
	s6 =	sshrl.u32 s6, $0x3  }
0xa: {  	s5 =	sadd.s32 s6, s5;
	s6 =	ssub.s32 s3, s31;
	s3 =	sadd.s32 $0x2800, s4  }
0xb: {  	v0 =	vimm.f32 $0.0e+00;
	v1 =	vimm.f32 $1.000000000e+00;
	s4 =	sadd.s32 $0xC800, s5;
	s5 =	smax.u32 s6, $0x1;
	s6 =	simm.s32 $0x1  }
.LBB2_1:
0xc: {  	[tilespmem:s2], [sflag:$0x1] =	stream.linear.gather [hbm4b:s3+s2], $0x2800, $0x38;
	[tilespmem:$0x5000] =	vst v63  }
0xd: {  	_ =	swait.ge [sflag:s6], $0x2800  }
0xe: {  	[sflag:s6] =	ssyncset.done $0x0  }
0xf: {  	s11 =	simm.s32 $0x0;
	[sflag:s6] =	ssyncadd.s32 $0xFFFFD800  }
.LBB2_2:
0x10: {  	p0 =	sne.s32 s11, $0x9FC0  }
.Ltmp0:
0x11: {  	_ = 	snop;
	(pc) =	sbr.rel @p0 .LBB2_2-.Ltmp0, $3  }
0x12: {  	_ =	sdelay $0x1  }
0x13: {  	s12 =	sshra.s32 s11, $0x2  }
0x14: {  	s11 =	sadd.s32 $0x40, s11;
	[tilespmem:s12+$0x2800] =	vst v0  }
0x15: {  	s11 =	simm.s32 $0x0  }
.LBB2_4:
0x16: {  	s12 =	sshra.s32 s11, $0x2  }
0x17: {  	v2 =	vld [tilespmem:s12+$0x0];
	_ =	sdelay $0x7  }
0x18: {  	[tilespmem:v2+s7+$0x0] =	vst.idx.add.f32.msk $0xffff, v1  }
0x19: {  	v2 =	vld [tilespmem:s12+$0x10];
	_ =	sdelay $0x7  }
0x1a: {  	[tilespmem:v2+s7+$0x0] =	vst.idx.add.f32.msk $0xffff, v1  }
0x1b: {  	v2 =	vld [tilespmem:s12+$0x20];
	_ =	sdelay $0x7  }
0x1c: {  	[tilespmem:v2+s7+$0x0] =	vst.idx.add.f32.msk $0xffff, v1  }
0x1d: {  	v2 =	vld [tilespmem:s12+$0x30];
	_ =	sdelay $0x7  }
0x1e: {  	[tilespmem:v2+s7+$0x0] =	vst.idx.add.f32.msk $0xffff, v1  }
0x1f: {  	v2 =	vld [tilespmem:s12+$0x40];
	_ =	sdelay $0x7  }
0x20: {  	[tilespmem:v2+s7+$0x0] =	vst.idx.add.f32.msk $0xffff, v1  }
0x21: {  	v2 =	vld [tilespmem:s12+$0x50];
	_ =	sdelay $0x7  }
0x22: {  	[tilespmem:v2+s7+$0x0] =	vst.idx.add.f32.msk $0xffff, v1  }
0x23: {  	v2 =	vld [tilespmem:s12+$0x60];
	_ =	sdelay $0x7  }
0x24: {  	[tilespmem:v2+s7+$0x0] =	vst.idx.add.f32.msk $0xffff, v1  }
0x25: {  	v2 =	vld [tilespmem:s12+$0x70];
	_ =	sdelay $0x2  }
0x26: {  	p0 =	sne.s32 s11, $0x9E00  }
.Ltmp1:
0x27: {  	_ = 	snop;
	(pc) =	sbr.rel @p0 .LBB2_4-.Ltmp1, $2  }
0x28: {  	_ =	sdelay $0x2  }
0x29: {  	s11 =	sadd.s32 $0x200, s11;
	[tilespmem:v2+s7+$0x0] =	vst.idx.add.f32.msk $0xffff, v1  }
0x2a: {  	s10 =	sadd.s32 $0x1, s10  }
0x2b: {  	p0 =	sne.s32 s10, s5  }
.Ltmp2:
0x2c: {  	_ = 	snop;
	(pc) =	sbr.rel @p0 .LBB2_1-.Ltmp2, $4  }
0x2d: {  	[hbm4b:s4+s8] =	stream.strided.scatter [tilespmem:s7], [sflag:$0x1], $0x2800, s9, s8, $0x38;
	[tilespmem:$0x5000] =	vst v63  }
0x2e: {  	_ =	swait.ge [sflag:s6], $0x2800  }
0x2f: {  	[sflag:s6] =	ssyncset.done $0x0  }
0x30: {  	[sflag:s6] =	ssyncadd.s32 $0xFFFFD800  }
0x31: {  	_ =	sfence.sel $0x180000  }
0x32: {  	[bflag:$0x0] =	sbarrier.arrive $0xFFFF  }
0x33: {  	p0 =	sne.s32 s0, $0x0;
	_ =	strace $0x90000047  }
0x34: {  	s0 =	sadd.s32 @!p0 $0x100000, s1;
	[bflag:$0x2] =	sbarrier.arrive $0xFFFF  }
0x35: {  	[sflag:s0] =	ssyncadd.tile.s32 @!p0 $0x1;
	_ =	shalt  }
.Lfunc_end2:
_tile_overlayer_lowered:
.L_overlay_start_2:
0x36: {  	(tag) =	ssettag $0x2  }
0x37: {  	s0 =	rddreg [dreg:$0x0];
	s2 =	stileid.u32  }
0x38: {  	s1 =	rddreg [dreg:$0x1];
	p0 =	sne.s32 s2, $0x0  }
0x39: {  	s3 =	rddreg [dreg:$0x2];
	[bflag:$0x3] =	sbarrier.arrive $0xFFFF;
	s2 =	simm.s32 @!p0 $0x1C01  }
0x3a: {  	[timem:s3], [sflag:s2] =	dma.local @!p0 [hbm:s0], s1  }
0x3b: {  	s0 =	simm.s32 @!p0 $0x1  }
0x3c: {  	_ =	swait.ge @!p0 [sflag:s0], s1  }
0x3d: {  	s1 =	ssub.s32 @!p0 $0x0, s1;
	[sflag:s0] =	ssyncset.done @!p0 $0x0  }
0x3e: {  	[sflag:s0] =	ssyncadd.s32 @!p0 s1  }
0x3f: {  	[bflag:$0x3] =	sbarrier.arrive $0xFFFF  }
0x40: {  	_ =	shalt  }

</sc_bundles>
